<compile_context>
chip_gen: v7x
topology: tpu7x:2x2x1
jax: 0.10.2.dev20260603
libtpu: 0.0.44.dev20260713+nightly
codegen_flags: <defaults>
</compile_context>

<pallas_src>
import jax
import jax.numpy as jnp
from jax import lax
from jax.experimental import pallas as pl
from jax.experimental.pallas import tpu as pltpu
from jax.experimental.pallas import tpu_sc as plsc

N_NODES = 10000
N_EDGES = 320000
D = 128

NC = 2
NS = 16
CH = 80
EDGES_PER_TILE = N_EDGES // (NC * NS)
NITER = EDGES_PER_TILE // CH
N_PAD = 10240
ROWS_PER_TILE = N_PAD // NS
ZROWS = 128


def _sc_body(x_hbm, src_hbm, dst_hbm, agg_out, cnt_out,
             src_idx, dst_idx, rows, ones_v, zbuf, cbuf,
             agg_sh, cnt_sh, sem):
    c = lax.axis_index("c")
    s = lax.axis_index("s")
    tile = c * NS + s

    zvec = jnp.zeros((16,), jnp.float32)
    onev = jnp.ones((16,), jnp.float32)

    def zrow(i, carry):
        for j in range(D // 16):
            zbuf[i, pl.ds(j * 16, 16)] = zvec
        return carry
    lax.fori_loop(0, ZROWS, zrow, 0)

    def crow(i, carry):
        cbuf[pl.ds(i * 16, 16)] = zvec
        return carry
    lax.fori_loop(0, ROWS_PER_TILE // 16, crow, 0)

    for j in range(CH // 16):
        ones_v[pl.ds(j * 16, 16)] = onev

    for r in range(ROWS_PER_TILE // ZROWS):
        row0 = s * ROWS_PER_TILE + r * ZROWS
        pltpu.sync_copy(zbuf, agg_sh.at[pl.ds(row0, ZROWS), :])
    pltpu.sync_copy(cbuf, cnt_sh.at[pl.ds(s * ROWS_PER_TILE, ROWS_PER_TILE)])
    plsc.subcore_barrier()

    def body(i, carry):
        base = tile * EDGES_PER_TILE + i * CH
        pltpu.sync_copy(src_hbm.at[pl.ds(base, CH)], src_idx)
        pltpu.sync_copy(dst_hbm.at[pl.ds(base, CH)], dst_idx)
        pltpu.async_copy(x_hbm.at[src_idx], rows, sem).wait()
        pltpu.sync_copy(rows, agg_sh.at[dst_idx], add=True)
        pltpu.sync_copy(ones_v, cnt_sh.at[dst_idx], add=True)
        return carry
    lax.fori_loop(0, NITER, body, 0)

    plsc.subcore_barrier()

    for r in range(ROWS_PER_TILE // ZROWS):
        row0 = s * ROWS_PER_TILE + r * ZROWS
        pltpu.sync_copy(agg_sh.at[pl.ds(row0, ZROWS), :], zbuf)
        pltpu.sync_copy(zbuf, agg_out.at[c, pl.ds(row0, ZROWS), :])
    pltpu.sync_copy(cnt_sh.at[pl.ds(s * ROWS_PER_TILE, ROWS_PER_TILE)], cbuf)
    pltpu.sync_copy(cbuf, cnt_out.at[c, pl.ds(s * ROWS_PER_TILE, ROWS_PER_TILE)])


def _combine_body(a_ref, c_ref, x_ref, wt_ref, o_ref):
    agg = a_ref[0] + a_ref[1]
    cnt = c_ref[:, 0:1] + c_ref[:, 1:2]
    inv = 1.0 / jnp.maximum(cnt, 1.0)
    xa = agg * inv
    h = jnp.dot(xa, wt_ref[...], preferred_element_type=jnp.float32)
    o_ref[...] = jnp.maximum(h, 0.0) + x_ref[...]


def kernel(x, edge_index, W):
    src = edge_index[0]
    dst = edge_index[1]

    mesh = plsc.VectorSubcoreMesh(core_axis_name="c", subcore_axis_name="s")
    sc_fn = pl.kernel(
        _sc_body,
        mesh=mesh,
        out_type=[
            jax.ShapeDtypeStruct((NC, N_PAD, D), jnp.float32),
            jax.ShapeDtypeStruct((NC, N_PAD), jnp.float32),
        ],
        scratch_types=[
            pltpu.VMEM((CH,), jnp.int32),
            pltpu.VMEM((CH,), jnp.int32),
            pltpu.VMEM((CH, D), jnp.float32),
            pltpu.VMEM((CH,), jnp.float32),
            pltpu.VMEM((ZROWS, D), jnp.float32),
            pltpu.VMEM((ROWS_PER_TILE,), jnp.float32),
            pltpu.VMEM_SHARED((N_PAD, D), jnp.float32),
            pltpu.VMEM_SHARED((N_PAD,), jnp.float32),
            pltpu.SemaphoreType.DMA,
        ],
    )
    agg_parts, cnt_parts = sc_fn(x, src, dst)
    cnt_t = cnt_parts.T

    blk = 512
    h_pad = pl.pallas_call(
        _combine_body,
        grid=(N_PAD // blk,),
        in_specs=[
            pl.BlockSpec((NC, blk, D), lambda i: (0, i, 0)),
            pl.BlockSpec((blk, NC), lambda i: (i, 0)),
            pl.BlockSpec((blk, D), lambda i: (i, 0)),
            pl.BlockSpec((D, D), lambda i: (0, 0)),
        ],
        out_specs=pl.BlockSpec((blk, D), lambda i: (i, 0)),
        out_shape=jax.ShapeDtypeStruct((N_PAD, D), jnp.float32),
    )(agg_parts, cnt_t, jnp.pad(x, ((0, N_PAD - N_NODES), (0, 0))), W.T)
    return h_pad[:N_NODES]

# --- scband reference (transcript-rebuilt; emitter-appended) ---
"""Pipeline reference for scband-gcnlayer-58368605553168 (READ-ONLY COPY).

The authoritative reference and input builder live on the scoring server;
editing this copy changes nothing except your own understanding.
"""

import jax, jax.numpy as jnp
import numpy as np

N_NODES = 10000
N_EDGES = 320000
D = 128


def setup_inputs(seed: int = 0) -> dict:
    key = jax.random.key(seed)
    k1, k2, k3 = jax.random.split(key, 3)
    x = jax.random.normal(k1, (N_NODES, D), dtype=jnp.float32)
    edge_index = jax.random.randint(k2, (2, N_EDGES), 0, N_NODES, dtype=jnp.int32)
    # nn.Linear(in_channels, out_channels, bias=False) weight: [out, in]
    W = jax.random.normal(k3, (D, D), dtype=jnp.float32) * 0.05
    return {"x": x, "edge_index": edge_index, "W": W}


def reference(x, edge_index, W):
    # DGL update_all(copy_src('x','m'), reduce_mean) with agg='mean':
    # each dst node receives mean of source-node features over incoming edges;
    # zero in-degree nodes get zeros (DGL fills zeros for empty mailboxes).
    src = edge_index[0]
    dst = edge_index[1]
    h_in = x
    msgs = jnp.take(x, src, axis=0)  # gather source features per edge
    agg = jax.ops.segment_sum(msgs, dst, num_segments=N_NODES)  # scatter-add
    cnt = jax.ops.segment_sum(jnp.ones((msgs.shape[0],), dtype=x.dtype), dst, num_segments=N_NODES)
    x_agg = agg / jnp.maximum(cnt, 1.0)[:, None]
    # h = ReLU(Linear(x_agg)); is_normalize=False; residual=True
    h = jax.nn.relu(x_agg @ W.T)
    h = h + h_in
    return h

if __name__ == "__main__":
    import jax
    _d = setup_inputs()
    print(jax.jit(kernel)(*tuple(_d.values())))

</pallas_src>

<mosaic_0001>
#map = affine_map<(d0, d1) -> (0, 0)>
#map1 = affine_map<(d0, d1) -> (0)>
#map2 = affine_map<(d0, d1) -> (0, 0, 0)>
module attributes {stable_mosaic.version = 14 : i64} {
  func.func @_sc_body(%arg0: i32, %arg1: i32, %arg2: memref<10000x128xf32, #tpu.memory_space<hbm>>, %arg3: memref<320000xi32, #tpu.memory_space<hbm>>, %arg4: memref<320000xi32, #tpu.memory_space<hbm>>, %arg5: memref<2x10240x128xf32, #tpu.memory_space<hbm>>, %arg6: memref<2x10240xf32, #tpu.memory_space<hbm>>, %arg7: memref<80xi32, #tpu.memory_space<vmem>>, %arg8: memref<80xi32, #tpu.memory_space<vmem>>, %arg9: memref<80x128xf32, #tpu.memory_space<vmem>>, %arg10: memref<80xf32, #tpu.memory_space<vmem>>, %arg11: memref<128x128xf32, #tpu.memory_space<vmem>>, %arg12: memref<640xf32, #tpu.memory_space<vmem>>, %arg13: memref<10240x128xf32, #tpu.memory_space<vmem_shared>>, %arg14: memref<10240xf32, #tpu.memory_space<vmem_shared>>, %arg15: memref<!tpu.dma_semaphore, #tpu.memory_space<semaphore_mem>>) attributes {dimension_semantics = [#tpu.dimension_semantics<core_parallel>, #tpu.dimension_semantics<subcore_parallel>], iteration_bounds = array<i64: 2, 16>, scalar_prefetch = 0 : i64, scratch_operands = 9 : i64, tpu.core_type = #tpu.core_type<sc_vector_subcore>, window_params = [{transform_indices = #map}, {transform_indices = #map1}, {transform_indices = #map1}, {transform_indices = #map2}, {transform_indices = #map}]} {
    %mul3A = arith.constant 16 : i32
    %mul3A_0 = arith.muli %arg0, %mul3A : i32
    %add3A = arith.addi %mul3A_0, %arg1 : i32
    %broadcast_in_dim3A = arith.constant 0.000000e+00 : f32
    %broadcast_in_dim3A_1 = vector.broadcast %broadcast_in_dim3A : f32 to vector<16xf32>
    %broadcast_in_dim3A_2 = arith.constant 1.000000e+00 : f32
    %broadcast_in_dim3A_3 = vector.broadcast %broadcast_in_dim3A_2 : f32 to vector<16xf32>
    %scan3A = arith.constant 0 : i32
    %scan3A_4 = arith.constant 0 : i32
    %scan3A_5 = arith.constant 128 : i32
    %scan3A_6 = arith.addi %scan3A_4, %scan3A_5 : i32
    %scan3A_7 = arith.constant 1 : i32
    scf.for %scan3A_87 = %scan3A_4 to %scan3A_6 step %scan3A_7  : i32 {
      %swap3A_88 = arith.index_cast %scan3A_87 : i32 to index
      %swap3A_89 = arith.constant 0 : index
      %swap3A_90 = tpu.vector_load %arg11[%swap3A_88, %swap3A_89] {strides = array<i32>} : memref<128x128xf32, #tpu.memory_space<vmem>>, vector<1x16xf32>,
      %swap3A_91 = vector.shape_cast %swap3A_90 : vector<1x16xf32> to vector<16xf32>
      %swap3A_92 = vector.shape_cast %broadcast_in_dim3A_1 : vector<16xf32> to vector<1x16xf32>
      tpu.vector_store %arg11[%swap3A_88, %swap3A_89], %swap3A_92 {strides = array<i32>} : memref<128x128xf32, #tpu.memory_space<vmem>>, vector<1x16xf32>,
      %swap3A_93 = arith.index_cast %scan3A_87 : i32 to index
      %swap3A_94 = arith.constant 16 : index
      %swap3A_95 = tpu.vector_load %arg11[%swap3A_93, %swap3A_94] {strides = array<i32>} : memref<128x128xf32, #tpu.memory_space<vmem>>, vector<1x16xf32>,
      %swap3A_96 = vector.shape_cast %swap3A_95 : vector<1x16xf32> to vector<16xf32>
      %swap3A_97 = vector.shape_cast %broadcast_in_dim3A_1 : vector<16xf32> to vector<1x16xf32>
      tpu.vector_store %arg11[%swap3A_93, %swap3A_94], %swap3A_97 {strides = array<i32>} : memref<128x128xf32, #tpu.memory_space<vmem>>, vector<1x16xf32>,
      %swap3A_98 = arith.index_cast %scan3A_87 : i32 to index
      %swap3A_99 = arith.constant 32 : index
      %swap3A_100 = tpu.vector_load %arg11[%swap3A_98, %swap3A_99] {strides = array<i32>} : memref<128x128xf32, #tpu.memory_space<vmem>>, vector<1x16xf32>,
      %swap3A_101 = vector.shape_cast %swap3A_100 : vector<1x16xf32> to vector<16xf32>
      %swap3A_102 = vector.shape_cast %broadcast_in_dim3A_1 : vector<16xf32> to vector<1x16xf32>
      tpu.vector_store %arg11[%swap3A_98, %swap3A_99], %swap3A_102 {strides = array<i32>} : memref<128x128xf32, #tpu.memory_space<vmem>>, vector<1x16xf32>,
      %swap3A_103 = arith.index_cast %scan3A_87 : i32 to index
      %swap3A_104 = arith.constant 48 : index
      %swap3A_105 = tpu.vector_load %arg11[%swap3A_103, %swap3A_104] {strides = array<i32>} : memref<128x128xf32, #tpu.memory_space<vmem>>, vector<1x16xf32>,
      %swap3A_106 = vector.shape_cast %swap3A_105 : vector<1x16xf32> to vector<16xf32>
      %swap3A_107 = vector.shape_cast %broadcast_in_dim3A_1 : vector<16xf32> to vector<1x16xf32>
      tpu.vector_store %arg11[%swap3A_103, %swap3A_104], %swap3A_107 {strides = array<i32>} : memref<128x128xf32, #tpu.memory_space<vmem>>, vector<1x16xf32>,
      %swap3A_108 = arith.index_cast %scan3A_87 : i32 to index
      %swap3A_109 = arith.constant 64 : index
      %swap3A_110 = tpu.vector_load %arg11[%swap3A_108, %swap3A_109] {strides = array<i32>} : memref<128x128xf32, #tpu.memory_space<vmem>>, vector<1x16xf32>,
      %swap3A_111 = vector.shape_cast %swap3A_110 : vector<1x16xf32> to vector<16xf32>
      %swap3A_112 = vector.shape_cast %broadcast_in_dim3A_1 : vector<16xf32> to vector<1x16xf32>
      tpu.vector_store %arg11[%swap3A_108, %swap3A_109], %swap3A_112 {strides = array<i32>} : memref<128x128xf32, #tpu.memory_space<vmem>>, vector<1x16xf32>,
      %swap3A_113 = arith.index_cast %scan3A_87 : i32 to index
      %swap3A_114 = arith.constant 80 : index
      %swap3A_115 = tpu.vector_load %arg11[%swap3A_113, %swap3A_114] {strides = array<i32>} : memref<128x128xf32, #tpu.memory_space<vmem>>, vector<1x16xf32>,
      %swap3A_116 = vector.shape_cast %swap3A_115 : vector<1x16xf32> to vector<16xf32>
      %swap3A_117 = vector.shape_cast %broadcast_in_dim3A_1 : vector<16xf32> to vector<1x16xf32>
      tpu.vector_store %arg11[%swap3A_113, %swap3A_114], %swap3A_117 {strides = array<i32>} : memref<128x128xf32, #tpu.memory_space<vmem>>, vector<1x16xf32>,
      %swap3A_118 = arith.index_cast %scan3A_87 : i32 to index
      %swap3A_119 = arith.constant 96 : index
      %swap3A_120 = tpu.vector_load %arg11[%swap3A_118, %swap3A_119] {strides = array<i32>} : memref<128x128xf32, #tpu.memory_space<vmem>>, vector<1x16xf32>,
      %swap3A_121 = vector.shape_cast %swap3A_120 : vector<1x16xf32> to vector<16xf32>
      %swap3A_122 = vector.shape_cast %broadcast_in_dim3A_1 : vector<16xf32> to vector<1x16xf32>
      tpu.vector_store %arg11[%swap3A_118, %swap3A_119], %swap3A_122 {strides = array<i32>} : memref<128x128xf32, #tpu.memory_space<vmem>>, vector<1x16xf32>,
      %swap3A_123 = arith.index_cast %scan3A_87 : i32 to index
      %swap3A_124 = arith.constant 112 : index
      %swap3A_125 = tpu.vector_load %arg11[%swap3A_123, %swap3A_124] {strides = array<i32>} : memref<128x128xf32, #tpu.memory_space<vmem>>, vector<1x16xf32>,
      %swap3A_126 = vector.shape_cast %swap3A_125 : vector<1x16xf32> to vector<16xf32>
      %swap3A_127 = vector.shape_cast %broadcast_in_dim3A_1 : vector<16xf32> to vector<1x16xf32>
      tpu.vector_store %arg11[%swap3A_123, %swap3A_124], %swap3A_127 {strides = array<i32>} : memref<128x128xf32, #tpu.memory_space<vmem>>, vector<1x16xf32>,
    }
    %scan3A_8 = arith.constant 128 : i32
    %scan3A_9 = arith.constant 0 : i32
    %scan3A_10 = arith.constant 0 : i32
    %scan3A_11 = arith.constant 40 : i32
    %scan3A_12 = arith.addi %scan3A_10, %scan3A_11 : i32
    %scan3A_13 = arith.constant 1 : i32
    scf.for %scan3A_87 = %scan3A_10 to %scan3A_12 step %scan3A_13  : i32 {
      %mul3A_88 = arith.constant 16 : i32
      %mul3A_89 = arith.muli %scan3A_87, %mul3A_88 : i32
      %swap3A_90 = arith.index_cast %mul3A_89 : i32 to index
      %swap3A_91 = tpu.vector_load %arg12[%swap3A_90] {strides = array<i32>} : memref<640xf32, #tpu.memory_space<vmem>>, vector<16xf32>,
      %swap3A_92 = vector.shape_cast %swap3A_91 : vector<16xf32> to vector<16xf32>
      %swap3A_93 = vector.shape_cast %broadcast_in_dim3A_1 : vector<16xf32> to vector<16xf32>
      tpu.vector_store %arg12[%swap3A_90], %swap3A_93 {strides = array<i32>} : memref<640xf32, #tpu.memory_space<vmem>>, vector<16xf32>,
    }
    %scan3A_14 = arith.constant 40 : i32
    %swap3A = arith.constant 0 : index
    %swap3A_15 = tpu.vector_load %arg10[%swap3A] {strides = array<i32>} : memref<80xf32, #tpu.memory_space<vmem>>, vector<16xf32>,
    %swap3A_16 = vector.shape_cast %swap3A_15 : vector<16xf32> to vector<16xf32>
    %swap3A_17 = vector.shape_cast %broadcast_in_dim3A_3 : vector<16xf32> to vector<16xf32>
    tpu.vector_store %arg10[%swap3A], %swap3A_17 {strides = array<i32>} : memref<80xf32, #tpu.memory_space<vmem>>, vector<16xf32>,
    %swap3A_18 = arith.constant 16 : index
    %swap3A_19 = tpu.vector_load %arg10[%swap3A_18] {strides = array<i32>} : memref<80xf32, #tpu.memory_space<vmem>>, vector<16xf32>,
    %swap3A_20 = vector.shape_cast %swap3A_19 : vector<16xf32> to vector<16xf32>
    %swap3A_21 = vector.shape_cast %broadcast_in_dim3A_3 : vector<16xf32> to vector<16xf32>
    tpu.vector_store %arg10[%swap3A_18], %swap3A_21 {strides = array<i32>} : memref<80xf32, #tpu.memory_space<vmem>>, vector<16xf32>,
    %swap3A_22 = arith.constant 32 : index
    %swap3A_23 = tpu.vector_load %arg10[%swap3A_22] {strides = array<i32>} : memref<80xf32, #tpu.memory_space<vmem>>, vector<16xf32>,
    %swap3A_24 = vector.shape_cast %swap3A_23 : vector<16xf32> to vector<16xf32>
    %swap3A_25 = vector.shape_cast %broadcast_in_dim3A_3 : vector<16xf32> to vector<16xf32>
    tpu.vector_store %arg10[%swap3A_22], %swap3A_25 {strides = array<i32>} : memref<80xf32, #tpu.memory_space<vmem>>, vector<16xf32>,
    %swap3A_26 = arith.constant 48 : index
    %swap3A_27 = tpu.vector_load %arg10[%swap3A_26] {strides = array<i32>} : memref<80xf32, #tpu.memory_space<vmem>>, vector<16xf32>,
    %swap3A_28 = vector.shape_cast %swap3A_27 : vector<16xf32> to vector<16xf32>
    %swap3A_29 = vector.shape_cast %broadcast_in_dim3A_3 : vector<16xf32> to vector<16xf32>
    tpu.vector_store %arg10[%swap3A_26], %swap3A_29 {strides = array<i32>} : memref<80xf32, #tpu.memory_space<vmem>>, vector<16xf32>,
    %swap3A_30 = arith.constant 64 : index
    %swap3A_31 = tpu.vector_load %arg10[%swap3A_30] {strides = array<i32>} : memref<80xf32, #tpu.memory_space<vmem>>, vector<16xf32>,
    %swap3A_32 = vector.shape_cast %swap3A_31 : vector<16xf32> to vector<16xf32>
    %swap3A_33 = vector.shape_cast %broadcast_in_dim3A_3 : vector<16xf32> to vector<16xf32>
    tpu.vector_store %arg10[%swap3A_30], %swap3A_33 {strides = array<i32>} : memref<80xf32, #tpu.memory_space<vmem>>, vector<16xf32>,
    %mul3A_34 = arith.constant 640 : i32
    %mul3A_35 = arith.muli %arg1, %mul3A_34 : i32
    %add3A_36 = arith.constant 0 : i32
    %add3A_37 = arith.addi %mul3A_35, %add3A_36 : i32
    "tpu.region"() ({
      %run_scoped3A = tpu.sem_alloc : memref<!tpu.dma_semaphore, #tpu.memory_space<semaphore_mem>>
      %dma_start3A = arith.constant 0 : i32
      %dma_start3A_87 = tpu.memref_slice %arg13[%add3A_37, %dma_start3A] : memref<10240x128xf32, #tpu.memory_space<vmem_shared>> -> memref<128x128xf32, #tpu.memory_space<vmem_shared>>
      %dma_start3A_88 = arith.constant 0 : i32
      %dma_start3A_89 = tpu.memref_slice %arg13[%add3A_37, %dma_start3A_88] : memref<10240x128xf32, #tpu.memory_space<vmem_shared>> -> memref<128x128xf32, #tpu.memory_space<vmem_shared>>
      tpu.enqueue_dma source(%arg11 : memref<128x128xf32, #tpu.memory_space<vmem>>) target(%dma_start3A_89 : memref<128x128xf32, #tpu.memory_space<vmem_shared>>) target_semaphore(%run_scoped3A : memref<!tpu.dma_semaphore, #tpu.memory_space<semaphore_mem>>)
      %dma_wait3A = arith.constant 0 : i32
      %dma_wait3A_90 = tpu.memref_slice %arg13[%add3A_37, %dma_wait3A] : memref<10240x128xf32, #tpu.memory_space<vmem_shared>> -> memref<128x128xf32, #tpu.memory_space<vmem_shared>>
      %dma_wait3A_91 = arith.constant 0 : i32
      %dma_wait3A_92 = tpu.memref_slice %arg13[%add3A_37, %dma_wait3A_91] : memref<10240x128xf32, #tpu.memory_space<vmem_shared>> -> memref<128x128xf32, #tpu.memory_space<vmem_shared>>
      tpu.wait_dma2 semaphore(%run_scoped3A : memref<!tpu.dma_semaphore, #tpu.memory_space<semaphore_mem>>) src(%arg11 : memref<128x128xf32, #tpu.memory_space<vmem>>) dst(%dma_wait3A_92 : memref<128x128xf32, #tpu.memory_space<vmem_shared>>)
      tpu.yield
    }) : () -> ()
    %mul3A_38 = arith.constant 640 : i32
    %mul3A_39 = arith.muli %arg1, %mul3A_38 : i32
    %add3A_40 = arith.constant 128 : i32
    %add3A_41 = arith.addi %mul3A_39, %add3A_40 : i32
    "tpu.region"() ({
      %run_scoped3A = tpu.sem_alloc : memref<!tpu.dma_semaphore, #tpu.memory_space<semaphore_mem>>
      %dma_start3A = arith.constant 0 : i32
      %dma_start3A_87 = tpu.memref_slice %arg13[%add3A_41, %dma_start3A] : memref<10240x128xf32, #tpu.memory_space<vmem_shared>> -> memref<128x128xf32, #tpu.memory_space<vmem_shared>>
      %dma_start3A_88 = arith.constant 0 : i32
      %dma_start3A_89 = tpu.memref_slice %arg13[%add3A_41, %dma_start3A_88] : memref<10240x128xf32, #tpu.memory_space<vmem_shared>> -> memref<128x128xf32, #tpu.memory_space<vmem_shared>>
      tpu.enqueue_dma source(%arg11 : memref<128x128xf32, #tpu.memory_space<vmem>>) target(%dma_start3A_89 : memref<128x128xf32, #tpu.memory_space<vmem_shared>>) target_semaphore(%run_scoped3A : memref<!tpu.dma_semaphore, #tpu.memory_space<semaphore_mem>>)
      %dma_wait3A = arith.constant 0 : i32
      %dma_wait3A_90 = tpu.memref_slice %arg13[%add3A_41, %dma_wait3A] : memref<10240x128xf32, #tpu.memory_space<vmem_shared>> -> memref<128x128xf32, #tpu.memory_space<vmem_shared>>
      %dma_wait3A_91 = arith.constant 0 : i32
      %dma_wait3A_92 = tpu.memref_slice %arg13[%add3A_41, %dma_wait3A_91] : memref<10240x128xf32, #tpu.memory_space<vmem_shared>> -> memref<128x128xf32, #tpu.memory_space<vmem_shared>>
      tpu.wait_dma2 semaphore(%run_scoped3A : memref<!tpu.dma_semaphore, #tpu.memory_space<semaphore_mem>>) src(%arg11 : memref<128x128xf32, #tpu.memory_space<vmem>>) dst(%dma_wait3A_92 : memref<128x128xf32, #tpu.memory_space<vmem_shared>>)
      tpu.yield
    }) : () -> ()
    %mul3A_42 = arith.constant 640 : i32
    %mul3A_43 = arith.muli %arg1, %mul3A_42 : i32
    %add3A_44 = arith.constant 256 : i32
    %add3A_45 = arith.addi %mul3A_43, %add3A_44 : i32
    "tpu.region"() ({
      %run_scoped3A = tpu.sem_alloc : memref<!tpu.dma_semaphore, #tpu.memory_space<semaphore_mem>>
      %dma_start3A = arith.constant 0 : i32
      %dma_start3A_87 = tpu.memref_slice %arg13[%add3A_45, %dma_start3A] : memref<10240x128xf32, #tpu.memory_space<vmem_shared>> -> memref<128x128xf32, #tpu.memory_space<vmem_shared>>
      %dma_start3A_88 = arith.constant 0 : i32
      %dma_start3A_89 = tpu.memref_slice %arg13[%add3A_45, %dma_start3A_88] : memref<10240x128xf32, #tpu.memory_space<vmem_shared>> -> memref<128x128xf32, #tpu.memory_space<vmem_shared>>
      tpu.enqueue_dma source(%arg11 : memref<128x128xf32, #tpu.memory_space<vmem>>) target(%dma_start3A_89 : memref<128x128xf32, #tpu.memory_space<vmem_shared>>) target_semaphore(%run_scoped3A : memref<!tpu.dma_semaphore, #tpu.memory_space<semaphore_mem>>)
      %dma_wait3A = arith.constant 0 : i32
      %dma_wait3A_90 = tpu.memref_slice %arg13[%add3A_45, %dma_wait3A] : memref<10240x128xf32, #tpu.memory_space<vmem_shared>> -> memref<128x128xf32, #tpu.memory_space<vmem_shared>>
      %dma_wait3A_91 = arith.constant 0 : i32
      %dma_wait3A_92 = tpu.memref_slice %arg13[%add3A_45, %dma_wait3A_91] : memref<10240x128xf32, #tpu.memory_space<vmem_shared>> -> memref<128x128xf32, #tpu.memory_space<vmem_shared>>
      tpu.wait_dma2 semaphore(%run_scoped3A : memref<!tpu.dma_semaphore, #tpu.memory_space<semaphore_mem>>) src(%arg11 : memref<128x128xf32, #tpu.memory_space<vmem>>) dst(%dma_wait3A_92 : memref<128x128xf32, #tpu.memory_space<vmem_shared>>)
      tpu.yield
    }) : () -> ()
    %mul3A_46 = arith.constant 640 : i32
    %mul3A_47 = arith.muli %arg1, %mul3A_46 : i32
    %add3A_48 = arith.constant 384 : i32
    %add3A_49 = arith.addi %mul3A_47, %add3A_48 : i32
    "tpu.region"() ({
      %run_scoped3A = tpu.sem_alloc : memref<!tpu.dma_semaphore, #tpu.memory_space<semaphore_mem>>
      %dma_start3A = arith.constant 0 : i32
      %dma_start3A_87 = tpu.memref_slice %arg13[%add3A_49, %dma_start3A] : memref<10240x128xf32, #tpu.memory_space<vmem_shared>> -> memref<128x128xf32, #tpu.memory_space<vmem_shared>>
      %dma_start3A_88 = arith.constant 0 : i32
      %dma_start3A_89 = tpu.memref_slice %arg13[%add3A_49, %dma_start3A_88] : memref<10240x128xf32, #tpu.memory_space<vmem_shared>> -> memref<128x128xf32, #tpu.memory_space<vmem_shared>>
      tpu.enqueue_dma source(%arg11 : memref<128x128xf32, #tpu.memory_space<vmem>>) target(%dma_start3A_89 : memref<128x128xf32, #tpu.memory_space<vmem_shared>>) target_semaphore(%run_scoped3A : memref<!tpu.dma_semaphore, #tpu.memory_space<semaphore_mem>>)
      %dma_wait3A = arith.constant 0 : i32
      %dma_wait3A_90 = tpu.memref_slice %arg13[%add3A_49, %dma_wait3A] : memref<10240x128xf32, #tpu.memory_space<vmem_shared>> -> memref<128x128xf32, #tpu.memory_space<vmem_shared>>
      %dma_wait3A_91 = arith.constant 0 : i32
      %dma_wait3A_92 = tpu.memref_slice %arg13[%add3A_49, %dma_wait3A_91] : memref<10240x128xf32, #tpu.memory_space<vmem_shared>> -> memref<128x128xf32, #tpu.memory_space<vmem_shared>>
      tpu.wait_dma2 semaphore(%run_scoped3A : memref<!tpu.dma_semaphore, #tpu.memory_space<semaphore_mem>>) src(%arg11 : memref<128x128xf32, #tpu.memory_space<vmem>>) dst(%dma_wait3A_92 : memref<128x128xf32, #tpu.memory_space<vmem_shared>>)
      tpu.yield
    }) : () -> ()
    %mul3A_50 = arith.constant 640 : i32
    %mul3A_51 = arith.muli %arg1, %mul3A_50 : i32
    %add3A_52 = arith.constant 512 : i32
    %add3A_53 = arith.addi %mul3A_51, %add3A_52 : i32
    "tpu.region"() ({
      %run_scoped3A = tpu.sem_alloc : memref<!tpu.dma_semaphore, #tpu.memory_space<semaphore_mem>>
      %dma_start3A = arith.constant 0 : i32
      %dma_start3A_87 = tpu.memref_slice %arg13[%add3A_53, %dma_start3A] : memref<10240x128xf32, #tpu.memory_space<vmem_shared>> -> memref<128x128xf32, #tpu.memory_space<vmem_shared>>
      %dma_start3A_88 = arith.constant 0 : i32
      %dma_start3A_89 = tpu.memref_slice %arg13[%add3A_53, %dma_start3A_88] : memref<10240x128xf32, #tpu.memory_space<vmem_shared>> -> memref<128x128xf32, #tpu.memory_space<vmem_shared>>
      tpu.enqueue_dma source(%arg11 : memref<128x128xf32, #tpu.memory_space<vmem>>) target(%dma_start3A_89 : memref<128x128xf32, #tpu.memory_space<vmem_shared>>) target_semaphore(%run_scoped3A : memref<!tpu.dma_semaphore, #tpu.memory_space<semaphore_mem>>)
      %dma_wait3A = arith.constant 0 : i32
      %dma_wait3A_90 = tpu.memref_slice %arg13[%add3A_53, %dma_wait3A] : memref<10240x128xf32, #tpu.memory_space<vmem_shared>> -> memref<128x128xf32, #tpu.memory_space<vmem_shared>>
      %dma_wait3A_91 = arith.constant 0 : i32
      %dma_wait3A_92 = tpu.memref_slice %arg13[%add3A_53, %dma_wait3A_91] : memref<10240x128xf32, #tpu.memory_space<vmem_shared>> -> memref<128x128xf32, #tpu.memory_space<vmem_shared>>
      tpu.wait_dma2 semaphore(%run_scoped3A : memref<!tpu.dma_semaphore, #tpu.memory_space<semaphore_mem>>) src(%arg11 : memref<128x128xf32, #tpu.memory_space<vmem>>) dst(%dma_wait3A_92 : memref<128x128xf32, #tpu.memory_space<vmem_shared>>)
      tpu.yield
    }) : () -> ()
    %mul3A_54 = arith.constant 640 : i32
    %mul3A_55 = arith.muli %arg1, %mul3A_54 : i32
    "tpu.region"() ({
      %run_scoped3A = tpu.sem_alloc : memref<!tpu.dma_semaphore, #tpu.memory_space<semaphore_mem>>
      %dma_start3A = tpu.memref_slice %arg14[%mul3A_55] : memref<10240xf32, #tpu.memory_space<vmem_shared>> -> memref<640xf32, #tpu.memory_space<vmem_shared>>
      %dma_start3A_87 = tpu.memref_slice %arg14[%mul3A_55] : memref<10240xf32, #tpu.memory_space<vmem_shared>> -> memref<640xf32, #tpu.memory_space<vmem_shared>>
      tpu.enqueue_dma source(%arg12 : memref<640xf32, #tpu.memory_space<vmem>>) target(%dma_start3A_87 : memref<640xf32, #tpu.memory_space<vmem_shared>>) target_semaphore(%run_scoped3A : memref<!tpu.dma_semaphore, #tpu.memory_space<semaphore_mem>>)
      %dma_wait3A = tpu.memref_slice %arg14[%mul3A_55] : memref<10240xf32, #tpu.memory_space<vmem_shared>> -> memref<640xf32, #tpu.memory_space<vmem_shared>>
      %dma_wait3A_88 = tpu.memref_slice %arg14[%mul3A_55] : memref<10240xf32, #tpu.memory_space<vmem_shared>> -> memref<640xf32, #tpu.memory_space<vmem_shared>>
      tpu.wait_dma2 semaphore(%run_scoped3A : memref<!tpu.dma_semaphore, #tpu.memory_space<semaphore_mem>>) src(%arg12 : memref<640xf32, #tpu.memory_space<vmem>>) dst(%dma_wait3A_88 : memref<640xf32, #tpu.memory_space<vmem_shared>>)
      tpu.yield
    }) : () -> ()
    %barrier3A = arith.constant 0 : index
    tpu.barrier barrier_id(%barrier3A)
    %scan3A_56 = arith.constant 0 : i32
    %scan3A_57 = arith.constant 0 : i32
    %scan3A_58 = arith.constant 125 : i32
    %scan3A_59 = arith.addi %scan3A_57, %scan3A_58 : i32
    %scan3A_60 = arith.constant 1 : i32
    scf.for %scan3A_87 = %scan3A_57 to %scan3A_59 step %scan3A_60  : i32 {
      %mul3A_88 = arith.constant 10000 : i32
      %mul3A_89 = arith.muli %add3A, %mul3A_88 : i32
      %mul3A_90 = arith.constant 80 : i32
      %mul3A_91 = arith.muli %scan3A_87, %mul3A_90 : i32
      %add3A_92 = arith.addi %mul3A_89, %mul3A_91 : i32
      "tpu.region"() ({
        %run_scoped3A = tpu.sem_alloc : memref<!tpu.dma_semaphore, #tpu.memory_space<semaphore_mem>>
        %dma_start3A_97 = tpu.memref_slice %arg3[%add3A_92] : memref<320000xi32, #tpu.memory_space<hbm>> -> memref<80xi32, #tpu.memory_space<hbm>>
        %dma_start3A_98 = tpu.memref_slice %arg3[%add3A_92] : memref<320000xi32, #tpu.memory_space<hbm>> -> memref<80xi32, #tpu.memory_space<hbm>>
        tpu.enqueue_dma source(%dma_start3A_98 : memref<80xi32, #tpu.memory_space<hbm>>) target(%arg7 : memref<80xi32, #tpu.memory_space<vmem>>) target_semaphore(%run_scoped3A : memref<!tpu.dma_semaphore, #tpu.memory_space<semaphore_mem>>)
        %dma_wait3A_99 = tpu.memref_slice %arg3[%add3A_92] : memref<320000xi32, #tpu.memory_space<hbm>> -> memref<80xi32, #tpu.memory_space<hbm>>
        %dma_wait3A_100 = tpu.memref_slice %arg3[%add3A_92] : memref<320000xi32, #tpu.memory_space<hbm>> -> memref<80xi32, #tpu.memory_space<hbm>>
        tpu.wait_dma2 semaphore(%run_scoped3A : memref<!tpu.dma_semaphore, #tpu.memory_space<semaphore_mem>>) src(%dma_wait3A_100 : memref<80xi32, #tpu.memory_space<hbm>>) dst(%arg7 : memref<80xi32, #tpu.memory_space<vmem>>)
        tpu.yield
      }) : () -> ()
      "tpu.region"() ({
        %run_scoped3A = tpu.sem_alloc : memref<!tpu.dma_semaphore, #tpu.memory_space<semaphore_mem>>
        %dma_start3A_97 = tpu.memref_slice %arg4[%add3A_92] : memref<320000xi32, #tpu.memory_space<hbm>> -> memref<80xi32, #tpu.memory_space<hbm>>
        %dma_start3A_98 = tpu.memref_slice %arg4[%add3A_92] : memref<320000xi32, #tpu.memory_space<hbm>> -> memref<80xi32, #tpu.memory_space<hbm>>
        tpu.enqueue_dma source(%dma_start3A_98 : memref<80xi32, #tpu.memory_space<hbm>>) target(%arg8 : memref<80xi32, #tpu.memory_space<vmem>>) target_semaphore(%run_scoped3A : memref<!tpu.dma_semaphore, #tpu.memory_space<semaphore_mem>>)
        %dma_wait3A_99 = tpu.memref_slice %arg4[%add3A_92] : memref<320000xi32, #tpu.memory_space<hbm>> -> memref<80xi32, #tpu.memory_space<hbm>>
        %dma_wait3A_100 = tpu.memref_slice %arg4[%add3A_92] : memref<320000xi32, #tpu.memory_space<hbm>> -> memref<80xi32, #tpu.memory_space<hbm>>
        tpu.wait_dma2 semaphore(%run_scoped3A : memref<!tpu.dma_semaphore, #tpu.memory_space<semaphore_mem>>) src(%dma_wait3A_100 : memref<80xi32, #tpu.memory_space<hbm>>) dst(%arg8 : memref<80xi32, #tpu.memory_space<vmem>>)
        tpu.yield
      }) : () -> ()
      %dma_start3A = arith.constant 0 : i32
      %dma_start3A_93 = arith.constant 0 : i32
      %dma_start3A_94 = tpu.memref_slice %arg2[%dma_start3A, %dma_start3A_93] : memref<10000x128xf32, #tpu.memory_space<hbm>> -> memref<10000x128xf32, #tpu.memory_space<hbm>>
      tpu.enqueue_indirect_dma source(%dma_start3A_94 : memref<10000x128xf32, #tpu.memory_space<hbm>>) target(%arg9 : memref<80x128xf32, #tpu.memory_space<vmem>>) offsets(%arg7 : memref<80xi32, #tpu.memory_space<vmem>>) semaphore(%arg15 : memref<!tpu.dma_semaphore, #tpu.memory_space<semaphore_mem>>)
      %dma_wait3A = arith.constant 0 : i32
      %dma_wait3A_95 = arith.constant 0 : i32
      %dma_wait3A_96 = tpu.memref_slice %arg2[%dma_wait3A, %dma_wait3A_95] : memref<10000x128xf32, #tpu.memory_space<hbm>> -> memref<10000x128xf32, #tpu.memory_space<hbm>>
      tpu.wait_indirect_dma semaphore(%arg15 : memref<!tpu.dma_semaphore, #tpu.memory_space<semaphore_mem>>) src(%dma_wait3A_96 : memref<10000x128xf32, #tpu.memory_space<hbm>>) dst(%arg9 : memref<80x128xf32, #tpu.memory_space<vmem>>)
      "tpu.region"() ({
        %run_scoped3A = tpu.sem_alloc : memref<!tpu.dma_semaphore, #tpu.memory_space<semaphore_mem>>
        %dma_start3A_97 = arith.constant 0 : i32
        %dma_start3A_98 = arith.constant 0 : i32
        %dma_start3A_99 = tpu.memref_slice %arg13[%dma_start3A_97, %dma_start3A_98] : memref<10240x128xf32, #tpu.memory_space<vmem_shared>> -> memref<10240x128xf32, #tpu.memory_space<vmem_shared>>
        tpu.enqueue_indirect_dma source(%arg9 : memref<80x128xf32, #tpu.memory_space<vmem>>) target(%dma_start3A_99 : memref<10240x128xf32, #tpu.memory_space<vmem_shared>>) offsets(%arg8 : memref<80xi32, #tpu.memory_space<vmem>>) semaphore(%run_scoped3A : memref<!tpu.dma_semaphore, #tpu.memory_space<semaphore_mem>>) {add = true}
        %dma_wait3A_100 = arith.constant 0 : i32
        %dma_wait3A_101 = arith.constant 0 : i32
        %dma_wait3A_102 = tpu.memref_slice %arg13[%dma_wait3A_100, %dma_wait3A_101] : memref<10240x128xf32, #tpu.memory_space<vmem_shared>> -> memref<10240x128xf32, #tpu.memory_space<vmem_shared>>
        tpu.wait_indirect_dma semaphore(%run_scoped3A : memref<!tpu.dma_semaphore, #tpu.memory_space<semaphore_mem>>) src(%arg9 : memref<80x128xf32, #tpu.memory_space<vmem>>) dst(%dma_wait3A_102 : memref<10240x128xf32, #tpu.memory_space<vmem_shared>>)
        tpu.yield
      }) : () -> ()
      "tpu.region"() ({
        %run_scoped3A = tpu.sem_alloc : memref<!tpu.dma_semaphore, #tpu.memory_space<semaphore_mem>>
        %dma_start3A_97 = arith.constant 0 : i32
        %dma_start3A_98 = tpu.memref_slice %arg14[%dma_start3A_97] : memref<10240xf32, #tpu.memory_space<vmem_shared>> -> memref<10240xf32, #tpu.memory_space<vmem_shared>>
        tpu.enqueue_indirect_dma source(%arg10 : memref<80xf32, #tpu.memory_space<vmem>>) target(%dma_start3A_98 : memref<10240xf32, #tpu.memory_space<vmem_shared>>) offsets(%arg8 : memref<80xi32, #tpu.memory_space<vmem>>) semaphore(%run_scoped3A : memref<!tpu.dma_semaphore, #tpu.memory_space<semaphore_mem>>) {add = true}
        %dma_wait3A_99 = arith.constant 0 : i32
        %dma_wait3A_100 = tpu.memref_slice %arg14[%dma_wait3A_99] : memref<10240xf32, #tpu.memory_space<vmem_shared>> -> memref<10240xf32, #tpu.memory_space<vmem_shared>>
        tpu.wait_indirect_dma semaphore(%run_scoped3A : memref<!tpu.dma_semaphore, #tpu.memory_space<semaphore_mem>>) src(%arg10 : memref<80xf32, #tpu.memory_space<vmem>>) dst(%dma_wait3A_100 : memref<10240xf32, #tpu.memory_space<vmem_shared>>)
        tpu.yield
      }) : () -> ()
    }
    %scan3A_61 = arith.constant 125 : i32
    %barrier3A_62 = arith.constant 0 : index
    tpu.barrier barrier_id(%barrier3A_62)
    %mul3A_63 = arith.constant 640 : i32
    %mul3A_64 = arith.muli %arg1, %mul3A_63 : i32
    %add3A_65 = arith.constant 0 : i32
    %add3A_66 = arith.addi %mul3A_64, %add3A_65 : i32
    "tpu.region"() ({
      %run_scoped3A = tpu.sem_alloc : memref<!tpu.dma_semaphore, #tpu.memory_space<semaphore_mem>>
      %dma_start3A = arith.constant 0 : i32
      %dma_start3A_87 = tpu.memref_slice %arg13[%add3A_66, %dma_start3A] : memref<10240x128xf32, #tpu.memory_space<vmem_shared>> -> memref<128x128xf32, #tpu.memory_space<vmem_shared>>
      %dma_start3A_88 = arith.constant 0 : i32
      %dma_start3A_89 = tpu.memref_slice %arg13[%add3A_66, %dma_start3A_88] : memref<10240x128xf32, #tpu.memory_space<vmem_shared>> -> memref<128x128xf32, #tpu.memory_space<vmem_shared>>
      tpu.enqueue_dma source(%dma_start3A_89 : memref<128x128xf32, #tpu.memory_space<vmem_shared>>) target(%arg11 : memref<128x128xf32, #tpu.memory_space<vmem>>) target_semaphore(%run_scoped3A : memref<!tpu.dma_semaphore, #tpu.memory_space<semaphore_mem>>)
      %dma_wait3A = arith.constant 0 : i32
      %dma_wait3A_90 = tpu.memref_slice %arg13[%add3A_66, %dma_wait3A] : memref<10240x128xf32, #tpu.memory_space<vmem_shared>> -> memref<128x128xf32, #tpu.memory_space<vmem_shared>>
      %dma_wait3A_91 = arith.constant 0 : i32
      %dma_wait3A_92 = tpu.memref_slice %arg13[%add3A_66, %dma_wait3A_91] : memref<10240x128xf32, #tpu.memory_space<vmem_shared>> -> memref<128x128xf32, #tpu.memory_space<vmem_shared>>
      tpu.wait_dma2 semaphore(%run_scoped3A : memref<!tpu.dma_semaphore, #tpu.memory_space<semaphore_mem>>) src(%dma_wait3A_92 : memref<128x128xf32, #tpu.memory_space<vmem_shared>>) dst(%arg11 : memref<128x128xf32, #tpu.memory_space<vmem>>)
      tpu.yield
    }) : () -> ()
    "tpu.region"() ({
      %run_scoped3A = tpu.sem_alloc : memref<!tpu.dma_semaphore, #tpu.memory_space<semaphore_mem>>
      %dma_start3A = arith.constant 0 : i32
      %dma_start3A_87 = tpu.memref_slice %arg5[%arg0, %add3A_66, %dma_start3A] : memref<2x10240x128xf32, #tpu.memory_space<hbm>> -> memref<1x128x128xf32, #tpu.memory_space<hbm>>
      %dma_start3A_88 = tpu.memref_squeeze %dma_start3A_87 : memref<1x128x128xf32, #tpu.memory_space<hbm>> -> memref<128x128xf32, #tpu.memory_space<hbm>>
      %dma_start3A_89 = arith.constant 0 : i32
      %dma_start3A_90 = tpu.memref_slice %arg5[%arg0, %add3A_66, %dma_start3A_89] : memref<2x10240x128xf32, #tpu.memory_space<hbm>> -> memref<1x128x128xf32, #tpu.memory_space<hbm>>
      %dma_start3A_91 = tpu.memref_squeeze %dma_start3A_90 : memref<1x128x128xf32, #tpu.memory_space<hbm>> -> memref<128x128xf32, #tpu.memory_space<hbm>>
      tpu.enqueue_dma source(%arg11 : memref<128x128xf32, #tpu.memory_space<vmem>>) target(%dma_start3A_91 : memref<128x128xf32, #tpu.memory_space<hbm>>) target_semaphore(%run_scoped3A : memref<!tpu.dma_semaphore, #tpu.memory_space<semaphore_mem>>)
      %dma_wait3A = arith.constant 0 : i32
      %dma_wait3A_92 = tpu.memref_slice %arg5[%arg0, %add3A_66, %dma_wait3A] : memref<2x10240x128xf32, #tpu.memory_space<hbm>> -> memref<1x128x128xf32, #tpu.memory_space<hbm>>
      %dma_wait3A_93 = tpu.memref_squeeze %dma_wait3A_92 : memref<1x128x128xf32, #tpu.memory_space<hbm>> -> memref<128x128xf32, #tpu.memory_space<hbm>>
      %dma_wait3A_94 = arith.constant 0 : i32
      %dma_wait3A_95 = tpu.memref_slice %arg5[%arg0, %add3A_66, %dma_wait3A_94] : memref<2x10240x128xf32, #tpu.memory_space<hbm>> -> memref<1x128x128xf32, #tpu.memory_space<hbm>>
      %dma_wait3A_96 = tpu.memref_squeeze %dma_wait3A_95 : memref<1x128x128xf32, #tpu.memory_space<hbm>> -> memref<128x128xf32, #tpu.memory_space<hbm>>
      tpu.wait_dma2 semaphore(%run_scoped3A : memref<!tpu.dma_semaphore, #tpu.memory_space<semaphore_mem>>) src(%arg11 : memref<128x128xf32, #tpu.memory_space<vmem>>) dst(%dma_wait3A_96 : memref<128x128xf32, #tpu.memory_space<hbm>>)
      tpu.yield
    }) : () -> ()
    %mul3A_67 = arith.constant 640 : i32
    %mul3A_68 = arith.muli %arg1, %mul3A_67 : i32
    %add3A_69 = arith.constant 128 : i32
    %add3A_70 = arith.addi %mul3A_68, %add3A_69 : i32
    "tpu.region"() ({
      %run_scoped3A = tpu.sem_alloc : memref<!tpu.dma_semaphore, #tpu.memory_space<semaphore_mem>>
      %dma_start3A = arith.constant 0 : i32
      %dma_start3A_87 = tpu.memref_slice %arg13[%add3A_70, %dma_start3A] : memref<10240x128xf32, #tpu.memory_space<vmem_shared>> -> memref<128x128xf32, #tpu.memory_space<vmem_shared>>
      %dma_start3A_88 = arith.constant 0 : i32
      %dma_start3A_89 = tpu.memref_slice %arg13[%add3A_70, %dma_start3A_88] : memref<10240x128xf32, #tpu.memory_space<vmem_shared>> -> memref<128x128xf32, #tpu.memory_space<vmem_shared>>
      tpu.enqueue_dma source(%dma_start3A_89 : memref<128x128xf32, #tpu.memory_space<vmem_shared>>) target(%arg11 : memref<128x128xf32, #tpu.memory_space<vmem>>) target_semaphore(%run_scoped3A : memref<!tpu.dma_semaphore, #tpu.memory_space<semaphore_mem>>)
      %dma_wait3A = arith.constant 0 : i32
      %dma_wait3A_90 = tpu.memref_slice %arg13[%add3A_70, %dma_wait3A] : memref<10240x128xf32, #tpu.memory_space<vmem_shared>> -> memref<128x128xf32, #tpu.memory_space<vmem_shared>>
      %dma_wait3A_91 = arith.constant 0 : i32
      %dma_wait3A_92 = tpu.memref_slice %arg13[%add3A_70, %dma_wait3A_91] : memref<10240x128xf32, #tpu.memory_space<vmem_shared>> -> memref<128x128xf32, #tpu.memory_space<vmem_shared>>
      tpu.wait_dma2 semaphore(%run_scoped3A : memref<!tpu.dma_semaphore, #tpu.memory_space<semaphore_mem>>) src(%dma_wait3A_92 : memref<128x128xf32, #tpu.memory_space<vmem_shared>>) dst(%arg11 : memref<128x128xf32, #tpu.memory_space<vmem>>)
      tpu.yield
    }) : () -> ()
    "tpu.region"() ({
      %run_scoped3A = tpu.sem_alloc : memref<!tpu.dma_semaphore, #tpu.memory_space<semaphore_mem>>
      %dma_start3A = arith.constant 0 : i32
      %dma_start3A_87 = tpu.memref_slice %arg5[%arg0, %add3A_70, %dma_start3A] : memref<2x10240x128xf32, #tpu.memory_space<hbm>> -> memref<1x128x128xf32, #tpu.memory_space<hbm>>
      %dma_start3A_88 = tpu.memref_squeeze %dma_start3A_87 : memref<1x128x128xf32, #tpu.memory_space<hbm>> -> memref<128x128xf32, #tpu.memory_space<hbm>>
      %dma_start3A_89 = arith.constant 0 : i32
      %dma_start3A_90 = tpu.memref_slice %arg5[%arg0, %add3A_70, %dma_start3A_89] : memref<2x10240x128xf32, #tpu.memory_space<hbm>> -> memref<1x128x128xf32, #tpu.memory_space<hbm>>
      %dma_start3A_91 = tpu.memref_squeeze %dma_start3A_90 : memref<1x128x128xf32, #tpu.memory_space<hbm>> -> memref<128x128xf32, #tpu.memory_space<hbm>>
      tpu.enqueue_dma source(%arg11 : memref<128x128xf32, #tpu.memory_space<vmem>>) target(%dma_start3A_91 : memref<128x128xf32, #tpu.memory_space<hbm>>) target_semaphore(%run_scoped3A : memref<!tpu.dma_semaphore, #tpu.memory_space<semaphore_mem>>)
      %dma_wait3A = arith.constant 0 : i32
      %dma_wait3A_92 = tpu.memref_slice %arg5[%arg0, %add3A_70, %dma_wait3A] : memref<2x10240x128xf32, #tpu.memory_space<hbm>> -> memref<1x128x128xf32, #tpu.memory_space<hbm>>
      %dma_wait3A_93 = tpu.memref_squeeze %dma_wait3A_92 : memref<1x128x128xf32, #tpu.memory_space<hbm>> -> memref<128x128xf32, #tpu.memory_space<hbm>>
      %dma_wait3A_94 = arith.constant 0 : i32
      %dma_wait3A_95 = tpu.memref_slice %arg5[%arg0, %add3A_70, %dma_wait3A_94] : memref<2x10240x128xf32, #tpu.memory_space<hbm>> -> memref<1x128x128xf32, #tpu.memory_space<hbm>>
      %dma_wait3A_96 = tpu.memref_squeeze %dma_wait3A_95 : memref<1x128x128xf32, #tpu.memory_space<hbm>> -> memref<128x128xf32, #tpu.memory_space<hbm>>
      tpu.wait_dma2 semaphore(%run_scoped3A : memref<!tpu.dma_semaphore, #tpu.memory_space<semaphore_mem>>) src(%arg11 : memref<128x128xf32, #tpu.memory_space<vmem>>) dst(%dma_wait3A_96 : memref<128x128xf32, #tpu.memory_space<hbm>>)
      tpu.yield
    }) : () -> ()
    %mul3A_71 = arith.constant 640 : i32
    %mul3A_72 = arith.muli %arg1, %mul3A_71 : i32
    %add3A_73 = arith.constant 256 : i32
    %add3A_74 = arith.addi %mul3A_72, %add3A_73 : i32
    "tpu.region"() ({
      %run_scoped3A = tpu.sem_alloc : memref<!tpu.dma_semaphore, #tpu.memory_space<semaphore_mem>>
      %dma_start3A = arith.constant 0 : i32
      %dma_start3A_87 = tpu.memref_slice %arg13[%add3A_74, %dma_start3A] : memref<10240x128xf32, #tpu.memory_space<vmem_shared>> -> memref<128x128xf32, #tpu.memory_space<vmem_shared>>
      %dma_start3A_88 = arith.constant 0 : i32
      %dma_start3A_89 = tpu.memref_slice %arg13[%add3A_74, %dma_start3A_88] : memref<10240x128xf32, #tpu.memory_space<vmem_shared>> -> memref<128x128xf32, #tpu.memory_space<vmem_shared>>
      tpu.enqueue_dma source(%dma_start3A_89 : memref<128x128xf32, #tpu.memory_space<vmem_shared>>) target(%arg11 : memref<128x128xf32, #tpu.memory_space<vmem>>) target_semaphore(%run_scoped3A : memref<!tpu.dma_semaphore, #tpu.memory_space<semaphore_mem>>)
      %dma_wait3A = arith.constant 0 : i32
      %dma_wait3A_90 = tpu.memref_slice %arg13[%add3A_74, %dma_wait3A] : memref<10240x128xf32, #tpu.memory_space<vmem_shared>> -> memref<128x128xf32, #tpu.memory_space<vmem_shared>>
      %dma_wait3A_91 = arith.constant 0 : i32
      %dma_wait3A_92 = tpu.memref_slice %arg13[%add3A_74, %dma_wait3A_91] : memref<10240x128xf32, #tpu.memory_space<vmem_shared>> -> memref<128x128xf32, #tpu.memory_space<vmem_shared>>
      tpu.wait_dma2 semaphore(%run_scoped3A : memref<!tpu.dma_semaphore, #tpu.memory_space<semaphore_mem>>) src(%dma_wait3A_92 : memref<128x128xf32, #tpu.memory_space<vmem_shared>>) dst(%arg11 : memref<128x128xf32, #tpu.memory_space<vmem>>)
      tpu.yield
    }) : () -> ()
    "tpu.region"() ({
      %run_scoped3A = tpu.sem_alloc : memref<!tpu.dma_semaphore, #tpu.memory_space<semaphore_mem>>
      %dma_start3A = arith.constant 0 : i32
      %dma_start3A_87 = tpu.memref_slice %arg5[%arg0, %add3A_74, %dma_start3A] : memref<2x10240x128xf32, #tpu.memory_space<hbm>> -> memref<1x128x128xf32, #tpu.memory_space<hbm>>
      %dma_start3A_88 = tpu.memref_squeeze %dma_start3A_87 : memref<1x128x128xf32, #tpu.memory_space<hbm>> -> memref<128x128xf32, #tpu.memory_space<hbm>>
      %dma_start3A_89 = arith.constant 0 : i32
      %dma_start3A_90 = tpu.memref_slice %arg5[%arg0, %add3A_74, %dma_start3A_89] : memref<2x10240x128xf32, #tpu.memory_space<hbm>> -> memref<1x128x128xf32, #tpu.memory_space<hbm>>
      %dma_start3A_91 = tpu.memref_squeeze %dma_start3A_90 : memref<1x128x128xf32, #tpu.memory_space<hbm>> -> memref<128x128xf32, #tpu.memory_space<hbm>>
      tpu.enqueue_dma source(%arg11 : memref<128x128xf32, #tpu.memory_space<vmem>>) target(%dma_start3A_91 : memref<128x128xf32, #tpu.memory_space<hbm>>) target_semaphore(%run_scoped3A : memref<!tpu.dma_semaphore, #tpu.memory_space<semaphore_mem>>)
      %dma_wait3A = arith.constant 0 : i32
      %dma_wait3A_92 = tpu.memref_slice %arg5[%arg0, %add3A_74, %dma_wait3A] : memref<2x10240x128xf32, #tpu.memory_space<hbm>> -> memref<1x128x128xf32, #tpu.memory_space<hbm>>
      %dma_wait3A_93 = tpu.memref_squeeze %dma_wait3A_92 : memref<1x128x128xf32, #tpu.memory_space<hbm>> -> memref<128x128xf32, #tpu.memory_space<hbm>>
      %dma_wait3A_94 = arith.constant 0 : i32
      %dma_wait3A_95 = tpu.memref_slice %arg5[%arg0, %add3A_74, %dma_wait3A_94] : memref<2x10240x128xf32, #tpu.memory_space<hbm>> -> memref<1x128x128xf32, #tpu.memory_space<hbm>>
      %dma_wait3A_96 = tpu.memref_squeeze %dma_wait3A_95 : memref<1x128x128xf32, #tpu.memory_space<hbm>> -> memref<128x128xf32, #tpu.memory_space<hbm>>
      tpu.wait_dma2 semaphore(%run_scoped3A : memref<!tpu.dma_semaphore, #tpu.memory_space<semaphore_mem>>) src(%arg11 : memref<128x128xf32, #tpu.memory_space<vmem>>) dst(%dma_wait3A_96 : memref<128x128xf32, #tpu.memory_space<hbm>>)
      tpu.yield
    }) : () -> ()
    %mul3A_75 = arith.constant 640 : i32
    %mul3A_76 = arith.muli %arg1, %mul3A_75 : i32
    %add3A_77 = arith.constant 384 : i32
    %add3A_78 = arith.addi %mul3A_76, %add3A_77 : i32
    "tpu.region"() ({
      %run_scoped3A = tpu.sem_alloc : memref<!tpu.dma_semaphore, #tpu.memory_space<semaphore_mem>>
      %dma_start3A = arith.constant 0 : i32
      %dma_start3A_87 = tpu.memref_slice %arg13[%add3A_78, %dma_start3A] : memref<10240x128xf32, #tpu.memory_space<vmem_shared>> -> memref<128x128xf32, #tpu.memory_space<vmem_shared>>
      %dma_start3A_88 = arith.constant 0 : i32
      %dma_start3A_89 = tpu.memref_slice %arg13[%add3A_78, %dma_start3A_88] : memref<10240x128xf32, #tpu.memory_space<vmem_shared>> -> memref<128x128xf32, #tpu.memory_space<vmem_shared>>
      tpu.enqueue_dma source(%dma_start3A_89 : memref<128x128xf32, #tpu.memory_space<vmem_shared>>) target(%arg11 : memref<128x128xf32, #tpu.memory_space<vmem>>) target_semaphore(%run_scoped3A : memref<!tpu.dma_semaphore, #tpu.memory_space<semaphore_mem>>)
      %dma_wait3A = arith.constant 0 : i32
      %dma_wait3A_90 = tpu.memref_slice %arg13[%add3A_78, %dma_wait3A] : memref<10240x128xf32, #tpu.memory_space<vmem_shared>> -> memref<128x128xf32, #tpu.memory_space<vmem_shared>>
      %dma_wait3A_91 = arith.constant 0 : i32
      %dma_wait3A_92 = tpu.memref_slice %arg13[%add3A_78, %dma_wait3A_91] : memref<10240x128xf32, #tpu.memory_space<vmem_shared>> -> memref<128x128xf32, #tpu.memory_space<vmem_shared>>
      tpu.wait_dma2 semaphore(%run_scoped3A : memref<!tpu.dma_semaphore, #tpu.memory_space<semaphore_mem>>) src(%dma_wait3A_92 : memref<128x128xf32, #tpu.memory_space<vmem_shared>>) dst(%arg11 : memref<128x128xf32, #tpu.memory_space<vmem>>)
      tpu.yield
    }) : () -> ()
    "tpu.region"() ({
      %run_scoped3A = tpu.sem_alloc : memref<!tpu.dma_semaphore, #tpu.memory_space<semaphore_mem>>
      %dma_start3A = arith.constant 0 : i32
      %dma_start3A_87 = tpu.memref_slice %arg5[%arg0, %add3A_78, %dma_start3A] : memref<2x10240x128xf32, #tpu.memory_space<hbm>> -> memref<1x128x128xf32, #tpu.memory_space<hbm>>
      %dma_start3A_88 = tpu.memref_squeeze %dma_start3A_87 : memref<1x128x128xf32, #tpu.memory_space<hbm>> -> memref<128x128xf32, #tpu.memory_space<hbm>>
      %dma_start3A_89 = arith.constant 0 : i32
      %dma_start3A_90 = tpu.memref_slice %arg5[%arg0, %add3A_78, %dma_start3A_89] : memref<2x10240x128xf32, #tpu.memory_space<hbm>> -> memref<1x128x128xf32, #tpu.memory_space<hbm>>
      %dma_start3A_91 = tpu.memref_squeeze %dma_start3A_90 : memref<1x128x128xf32, #tpu.memory_space<hbm>> -> memref<128x128xf32, #tpu.memory_space<hbm>>
      tpu.enqueue_dma source(%arg11 : memref<128x128xf32, #tpu.memory_space<vmem>>) target(%dma_start3A_91 : memref<128x128xf32, #tpu.memory_space<hbm>>) target_semaphore(%run_scoped3A : memref<!tpu.dma_semaphore, #tpu.memory_space<semaphore_mem>>)
      %dma_wait3A = arith.constant 0 : i32
      %dma_wait3A_92 = tpu.memref_slice %arg5[%arg0, %add3A_78, %dma_wait3A] : memref<2x10240x128xf32, #tpu.memory_space<hbm>> -> memref<1x128x128xf32, #tpu.memory_space<hbm>>
      %dma_wait3A_93 = tpu.memref_squeeze %dma_wait3A_92 : memref<1x128x128xf32, #tpu.memory_space<hbm>> -> memref<128x128xf32, #tpu.memory_space<hbm>>
      %dma_wait3A_94 = arith.constant 0 : i32
      %dma_wait3A_95 = tpu.memref_slice %arg5[%arg0, %add3A_78, %dma_wait3A_94] : memref<2x10240x128xf32, #tpu.memory_space<hbm>> -> memref<1x128x128xf32, #tpu.memory_space<hbm>>
      %dma_wait3A_96 = tpu.memref_squeeze %dma_wait3A_95 : memref<1x128x128xf32, #tpu.memory_space<hbm>> -> memref<128x128xf32, #tpu.memory_space<hbm>>
      tpu.wait_dma2 semaphore(%run_scoped3A : memref<!tpu.dma_semaphore, #tpu.memory_space<semaphore_mem>>) src(%arg11 : memref<128x128xf32, #tpu.memory_space<vmem>>) dst(%dma_wait3A_96 : memref<128x128xf32, #tpu.memory_space<hbm>>)
      tpu.yield
    }) : () -> ()
    %mul3A_79 = arith.constant 640 : i32
    %mul3A_80 = arith.muli %arg1, %mul3A_79 : i32
    %add3A_81 = arith.constant 512 : i32
    %add3A_82 = arith.addi %mul3A_80, %add3A_81 : i32
    "tpu.region"() ({
      %run_scoped3A = tpu.sem_alloc : memref<!tpu.dma_semaphore, #tpu.memory_space<semaphore_mem>>
      %dma_start3A = arith.constant 0 : i32
      %dma_start3A_87 = tpu.memref_slice %arg13[%add3A_82, %dma_start3A] : memref<10240x128xf32, #tpu.memory_space<vmem_shared>> -> memref<128x128xf32, #tpu.memory_space<vmem_shared>>
      %dma_start3A_88 = arith.constant 0 : i32
      %dma_start3A_89 = tpu.memref_slice %arg13[%add3A_82, %dma_start3A_88] : memref<10240x128xf32, #tpu.memory_space<vmem_shared>> -> memref<128x128xf32, #tpu.memory_space<vmem_shared>>
      tpu.enqueue_dma source(%dma_start3A_89 : memref<128x128xf32, #tpu.memory_space<vmem_shared>>) target(%arg11 : memref<128x128xf32, #tpu.memory_space<vmem>>) target_semaphore(%run_scoped3A : memref<!tpu.dma_semaphore, #tpu.memory_space<semaphore_mem>>)
      %dma_wait3A = arith.constant 0 : i32
      %dma_wait3A_90 = tpu.memref_slice %arg13[%add3A_82, %dma_wait3A] : memref<10240x128xf32, #tpu.memory_space<vmem_shared>> -> memref<128x128xf32, #tpu.memory_space<vmem_shared>>
      %dma_wait3A_91 = arith.constant 0 : i32
      %dma_wait3A_92 = tpu.memref_slice %arg13[%add3A_82, %dma_wait3A_91] : memref<10240x128xf32, #tpu.memory_space<vmem_shared>> -> memref<128x128xf32, #tpu.memory_space<vmem_shared>>
      tpu.wait_dma2 semaphore(%run_scoped3A : memref<!tpu.dma_semaphore, #tpu.memory_space<semaphore_mem>>) src(%dma_wait3A_92 : memref<128x128xf32, #tpu.memory_space<vmem_shared>>) dst(%arg11 : memref<128x128xf32, #tpu.memory_space<vmem>>)
      tpu.yield
    }) : () -> ()
    "tpu.region"() ({
      %run_scoped3A = tpu.sem_alloc : memref<!tpu.dma_semaphore, #tpu.memory_space<semaphore_mem>>
      %dma_start3A = arith.constant 0 : i32
      %dma_start3A_87 = tpu.memref_slice %arg5[%arg0, %add3A_82, %dma_start3A] : memref<2x10240x128xf32, #tpu.memory_space<hbm>> -> memref<1x128x128xf32, #tpu.memory_space<hbm>>
      %dma_start3A_88 = tpu.memref_squeeze %dma_start3A_87 : memref<1x128x128xf32, #tpu.memory_space<hbm>> -> memref<128x128xf32, #tpu.memory_space<hbm>>
      %dma_start3A_89 = arith.constant 0 : i32
      %dma_start3A_90 = tpu.memref_slice %arg5[%arg0, %add3A_82, %dma_start3A_89] : memref<2x10240x128xf32, #tpu.memory_space<hbm>> -> memref<1x128x128xf32, #tpu.memory_space<hbm>>
      %dma_start3A_91 = tpu.memref_squeeze %dma_start3A_90 : memref<1x128x128xf32, #tpu.memory_space<hbm>> -> memref<128x128xf32, #tpu.memory_space<hbm>>
      tpu.enqueue_dma source(%arg11 : memref<128x128xf32, #tpu.memory_space<vmem>>) target(%dma_start3A_91 : memref<128x128xf32, #tpu.memory_space<hbm>>) target_semaphore(%run_scoped3A : memref<!tpu.dma_semaphore, #tpu.memory_space<semaphore_mem>>)
      %dma_wait3A = arith.constant 0 : i32
      %dma_wait3A_92 = tpu.memref_slice %arg5[%arg0, %add3A_82, %dma_wait3A] : memref<2x10240x128xf32, #tpu.memory_space<hbm>> -> memref<1x128x128xf32, #tpu.memory_space<hbm>>
      %dma_wait3A_93 = tpu.memref_squeeze %dma_wait3A_92 : memref<1x128x128xf32, #tpu.memory_space<hbm>> -> memref<128x128xf32, #tpu.memory_space<hbm>>
      %dma_wait3A_94 = arith.constant 0 : i32
      %dma_wait3A_95 = tpu.memref_slice %arg5[%arg0, %add3A_82, %dma_wait3A_94] : memref<2x10240x128xf32, #tpu.memory_space<hbm>> -> memref<1x128x128xf32, #tpu.memory_space<hbm>>
      %dma_wait3A_96 = tpu.memref_squeeze %dma_wait3A_95 : memref<1x128x128xf32, #tpu.memory_space<hbm>> -> memref<128x128xf32, #tpu.memory_space<hbm>>
      tpu.wait_dma2 semaphore(%run_scoped3A : memref<!tpu.dma_semaphore, #tpu.memory_space<semaphore_mem>>) src(%arg11 : memref<128x128xf32, #tpu.memory_space<vmem>>) dst(%dma_wait3A_96 : memref<128x128xf32, #tpu.memory_space<hbm>>)
      tpu.yield
    }) : () -> ()
    %mul3A_83 = arith.constant 640 : i32
    %mul3A_84 = arith.muli %arg1, %mul3A_83 : i32
    "tpu.region"() ({
      %run_scoped3A = tpu.sem_alloc : memref<!tpu.dma_semaphore, #tpu.memory_space<semaphore_mem>>
      %dma_start3A = tpu.memref_slice %arg14[%mul3A_84] : memref<10240xf32, #tpu.memory_space<vmem_shared>> -> memref<640xf32, #tpu.memory_space<vmem_shared>>
      %dma_start3A_87 = tpu.memref_slice %arg14[%mul3A_84] : memref<10240xf32, #tpu.memory_space<vmem_shared>> -> memref<640xf32, #tpu.memory_space<vmem_shared>>
      tpu.enqueue_dma source(%dma_start3A_87 : memref<640xf32, #tpu.memory_space<vmem_shared>>) target(%arg12 : memref<640xf32, #tpu.memory_space<vmem>>) target_semaphore(%run_scoped3A : memref<!tpu.dma_semaphore, #tpu.memory_space<semaphore_mem>>)
      %dma_wait3A = tpu.memref_slice %arg14[%mul3A_84] : memref<10240xf32, #tpu.memory_space<vmem_shared>> -> memref<640xf32, #tpu.memory_space<vmem_shared>>
      %dma_wait3A_88 = tpu.memref_slice %arg14[%mul3A_84] : memref<10240xf32, #tpu.memory_space<vmem_shared>> -> memref<640xf32, #tpu.memory_space<vmem_shared>>
      tpu.wait_dma2 semaphore(%run_scoped3A : memref<!tpu.dma_semaphore, #tpu.memory_space<semaphore_mem>>) src(%dma_wait3A_88 : memref<640xf32, #tpu.memory_space<vmem_shared>>) dst(%arg12 : memref<640xf32, #tpu.memory_space<vmem>>)
      tpu.yield
    }) : () -> ()
    %mul3A_85 = arith.constant 640 : i32
    %mul3A_86 = arith.muli %arg1, %mul3A_85 : i32
    "tpu.region"() ({
      %run_scoped3A = tpu.sem_alloc : memref<!tpu.dma_semaphore, #tpu.memory_space<semaphore_mem>>
      %dma_start3A = tpu.memref_slice %arg6[%arg0, %mul3A_86] : memref<2x10240xf32, #tpu.memory_space<hbm>> -> memref<1x640xf32, #tpu.memory_space<hbm>>
      %dma_start3A_87 = tpu.memref_squeeze %dma_start3A : memref<1x640xf32, #tpu.memory_space<hbm>> -> memref<640xf32, #tpu.memory_space<hbm>>
      %dma_start3A_88 = tpu.memref_slice %arg6[%arg0, %mul3A_86] : memref<2x10240xf32, #tpu.memory_space<hbm>> -> memref<1x640xf32, #tpu.memory_space<hbm>>
      %dma_start3A_89 = tpu.memref_squeeze %dma_start3A_88 : memref<1x640xf32, #tpu.memory_space<hbm>> -> memref<640xf32, #tpu.memory_space<hbm>>
      tpu.enqueue_dma source(%arg12 : memref<640xf32, #tpu.memory_space<vmem>>) target(%dma_start3A_89 : memref<640xf32, #tpu.memory_space<hbm>>) target_semaphore(%run_scoped3A : memref<!tpu.dma_semaphore, #tpu.memory_space<semaphore_mem>>)
      %dma_wait3A = tpu.memref_slice %arg6[%arg0, %mul3A_86] : memref<2x10240xf32, #tpu.memory_space<hbm>> -> memref<1x640xf32, #tpu.memory_space<hbm>>
      %dma_wait3A_90 = tpu.memref_squeeze %dma_wait3A : memref<1x640xf32, #tpu.memory_space<hbm>> -> memref<640xf32, #tpu.memory_space<hbm>>
      %dma_wait3A_91 = tpu.memref_slice %arg6[%arg0, %mul3A_86] : memref<2x10240xf32, #tpu.memory_space<hbm>> -> memref<1x640xf32, #tpu.memory_space<hbm>>
      %dma_wait3A_92 = tpu.memref_squeeze %dma_wait3A_91 : memref<1x640xf32, #tpu.memory_space<hbm>> -> memref<640xf32, #tpu.memory_space<hbm>>
      tpu.wait_dma2 semaphore(%run_scoped3A : memref<!tpu.dma_semaphore, #tpu.memory_space<semaphore_mem>>) src(%arg12 : memref<640xf32, #tpu.memory_space<vmem>>) dst(%dma_wait3A_92 : memref<640xf32, #tpu.memory_space<hbm>>)
      tpu.yield
    }) : () -> ()
    return
  }
}

module attributes {stable_mosaic.version = 14 : i64} {
  func.func @_combine_body(%arg0: i32, %arg1: memref<2x512x128xf32, #tpu.memory_space<vmem>>, %arg2: memref<512x2xf32, #tpu.memory_space<vmem>>, %arg3: memref<512x128xf32, #tpu.memory_space<vmem>>, %arg4: memref<128x128xf32, #tpu.memory_space<vmem>>, %arg5: memref<512x128xf32, #tpu.memory_space<vmem>>) attributes {dimension_semantics = [#tpu.dimension_semantics<arbitrary>], iteration_bounds = array<i64: 20>, scalar_prefetch = 0 : i64, scratch_operands = 0 : i64, tpu.core_type = #tpu.core_type<tc>, window_params = [{transform_indices = @transform_0, window_bounds = array<i64: 2, 512, 128>}, {transform_indices = @transform_1, window_bounds = array<i64: 512, 2>}, {transform_indices = @transform_2, window_bounds = array<i64: 512, 128>}, {pipeline_mode = #tpu.pipeline_mode<synchronous>, transform_indices = @transform_3, window_bounds = array<i64: 128, 128>}, {transform_indices = @transform_4, window_bounds = array<i64: 512, 128>}]} {
    %get3A = arith.constant 0 : index
    %get3A_0 = arith.constant 0 : index
    %get3A_1 = arith.constant 0 : index
    %get3A_2 = vector.load %arg1[%get3A, %get3A_0, %get3A_1] : memref<2x512x128xf32, #tpu.memory_space<vmem>>, vector<1x512x128xf32>
    %get3A_3 = vector.shape_cast %get3A_2 : vector<1x512x128xf32> to vector<512x128xf32>
    %get3A_4 = arith.constant 1 : index
    %get3A_5 = arith.constant 0 : index
    %get3A_6 = arith.constant 0 : index
    %get3A_7 = vector.load %arg1[%get3A_4, %get3A_5, %get3A_6] : memref<2x512x128xf32, #tpu.memory_space<vmem>>, vector<1x512x128xf32>
    %get3A_8 = vector.shape_cast %get3A_7 : vector<1x512x128xf32> to vector<512x128xf32>
    %add3A = arith.addf %get3A_3, %get3A_8 : vector<512x128xf32>
    %get3A_9 = arith.constant 0 : index
    %get3A_10 = arith.constant 0 : index
    %get3A_11 = vector.load %arg2[%get3A_9, %get3A_10] : memref<512x2xf32, #tpu.memory_space<vmem>>, vector<512x1xf32>
    %get3A_12 = arith.constant 0 : index
    %get3A_13 = arith.constant 1 : index
    %get3A_14 = vector.load %arg2[%get3A_12, %get3A_13] : memref<512x2xf32, #tpu.memory_space<vmem>>, vector<512x1xf32>
    %add3A_15 = arith.addf %get3A_11, %get3A_14 : vector<512x1xf32>
    %max3A = arith.constant 1.000000e+00 : f32
    %max3A_16 = vector.broadcast %max3A : f32 to vector<512x1xf32>
    %max3A_17 = arith.maximumf %add3A_15, %max3A_16 : vector<512x1xf32>
    %div3A = arith.constant 1.000000e+00 : f32
    %div3A_18 = vector.broadcast %div3A : f32 to vector<512x1xf32>
    %div3A_19 = arith.divf %div3A_18, %max3A_17 : vector<512x1xf32>
    %mul3A = vector.broadcast %div3A_19 : vector<512x1xf32> to vector<512x128xf32>
    %mul3A_20 = arith.mulf %add3A, %mul3A : vector<512x128xf32>
    %get3A_21 = arith.constant 0 : index
    %get3A_22 = arith.constant 0 : index
    %get3A_23 = vector.load %arg4[%get3A_21, %get3A_22] : memref<128x128xf32, #tpu.memory_space<vmem>>, vector<128x128xf32>
    %dot_general3A = arith.constant dense<0.000000e+00> : vector<512x128xf32>
    %dot_general3A_24 = tpu.matmul %mul3A_20, %get3A_23, %dot_general3A {dimension_numbers = #tpu.dot_dimension_numbers<[1], [0], [0], [1], [0, 0, 1, 1], [], []>, transpose_lhs_hint = false} : vector<512x128xf32>, vector<128x128xf32>, vector<512x128xf32> -> vector<512x128xf32>
    %max3A_25 = arith.constant 0.000000e+00 : f32
    %max3A_26 = vector.broadcast %max3A_25 : f32 to vector<512x128xf32>
    %max3A_27 = arith.maximumf %dot_general3A_24, %max3A_26 : vector<512x128xf32>
    %get3A_28 = arith.constant 0 : index
    %get3A_29 = arith.constant 0 : index
    %get3A_30 = vector.load %arg3[%get3A_28, %get3A_29] : memref<512x128xf32, #tpu.memory_space<vmem>>, vector<512x128xf32>
    %add3A_31 = arith.addf %max3A_27, %get3A_30 : vector<512x128xf32>
    %swap3A = arith.constant 0 : index
    %swap3A_32 = arith.constant 0 : index
    %swap3A_33 = vector.load %arg5[%swap3A, %swap3A_32] : memref<512x128xf32, #tpu.memory_space<vmem>>, vector<512x128xf32>
    tpu.vector_store %arg5[%swap3A, %swap3A_32], %add3A_31 {strides = array<i32>} : memref<512x128xf32, #tpu.memory_space<vmem>>, vector<512x128xf32>,
    return
  }
  func.func @transform_0(%arg0: i32) -> (i32, i32, i32) {
    %c0_i32 = arith.constant 0 : i32
    %c0_i32_0 = arith.constant 0 : i32
    %c0_i32_1 = arith.constant 0 : i32
    return %c0_i32, %arg0, %c0_i32_0 : i32, i32, i32
  }
  func.func @transform_1(%arg0: i32) -> (i32, i32) {
    %c0_i32 = arith.constant 0 : i32
    %c0_i32_0 = arith.constant 0 : i32
    return %arg0, %c0_i32 : i32, i32
  }
  func.func @transform_2(%arg0: i32) -> (i32, i32) {
    %c0_i32 = arith.constant 0 : i32
    %c0_i32_0 = arith.constant 0 : i32
    return %arg0, %c0_i32 : i32, i32
  }
  func.func @transform_3(%arg0: i32) -> (i32, i32) {
    %c0_i32 = arith.constant 0 : i32
    %c0_i32_0 = arith.constant 0 : i32
    %c0_i32_1 = arith.constant 0 : i32
    return %c0_i32, %c0_i32_0 : i32, i32
  }
  func.func @transform_4(%arg0: i32) -> (i32, i32) {
    %c0_i32 = arith.constant 0 : i32
    %c0_i32_0 = arith.constant 0 : i32
    return %arg0, %c0_i32 : i32, i32
  }
}

</mosaic_0001>

<sc_bundles>
// kernel: kernel.4.cloned.1.call-start
scs
__scs_entry_jumppad:
0x0: {  	(pc) =	sbr.rel $0x88, $3  }
0x1: {  	(tag) =	ssettag $0x0;
	lr =	simm.s32 $0x1  }
0x2: {  	[smem:$0x3F9E] =	sst lr;
	_ =	strace $0xD0000000  }
0x3: {  	_ = 	snop  }
0x4: {  	_ = 	snop  }
0x5: {  	_ = 	snop  }
0x6: {  	_ = 	snop  }
0x7: {  	_ = 	snop  }
__scs_overlays_trampoline_lowered:
0x8: {  	[smem:$0x3FAD] =	sst s0  }
0x9: {  	[smem:$0x3FAE] =	sst s1  }
0xa: {  	[smem:$0x3FAF] =	sst s2  }
0xb: {  	[smem:$0x3FB0] =	sst s3  }
0xc: {  	[smem:$0x3FB1] =	sst s4  }
0xd: {  	[smem:$0x3FB2] =	sst s5  }
0xe: {  	[smem:$0x3FB3] =	sst s6  }
0xf: {  	[smem:$0x3FB4] =	sst s7  }
0x10: {  	[smem:$0x3FB5] =	sst s8  }
0x11: {  	[smem:$0x3FB6] =	sst s9;
	s0 =	simm.s32 @!p0 $0x0  }
0x12: {  	s1 =	sld [smem:$0x3F9C];
	s0 =	simm.s32 @p0 $0x1  }
0x13: {  	[smem:$0x3FB7] =	sst s0;
	s0 =	simm.s32 @!p1 $0x0  }
0x14: {  	s2 =	sld [smem:$0x3F9B];
	s0 =	simm.s32 @p1 $0x1  }
0x15: {  	[smem:$0x3FB8] =	sst s0;
	s0 =	simm.s32 @!p2 $0x0  }
0x16: {  	s3 =	sld [smem:$0x3FDB];
	s0 =	simm.s32 @p2 $0x1  }
0x17: {  	s4 =	simm.s32 $0x1BF5;
	[smem:$0x3FBA] =	sst s0  }
0x18: {  	s0 =	sld [smem:$0x3F9D];
	_ =	swait.ge [sflag:s4], $0x0  }
0x19: {  	s7 =	sld [smem:$0x3F9E]  }
0x1a: {  	s8 =	sadd.s32 $0xFFFFE003, lr  }
0x1b: {  	s9 =	sadd.s32 $0xFFFFFEF7, lr;
	s5 =	simm.s32 $0xFFFFFFFF;
	p2 =	slt.u32 s8, $0xFFFFF086  }
0x1c: {  	p1 =	slt.u32 s9, $0xF7A;
	s5 =	simm.s32 @!p2 $0x0  }
0x1d: {  	s5 =	simm.s32 @p1 $0x1;
	p0 =	seq.s32 s7, s2  }
0x1e: {  	s7 =	smul.u32 @!p0 $0xF7A, s2;
	p2 =	seq.s32 @!p0 s5, $0x0  }
0x1f: {  	s9 =	smul.u32 $0xF7A, s1;
	s8 =	simm.s32 @!p0 $0x1BF5;
	p2 =	por !p2, p0  }
0x20: {  	[sflag:s8] =	ssyncset.s32 @!p0 $0xFFFFF086;
	s6 =	sadd.s32 @!p0 s3, s7;
	s7 =	simm.s32 @!p0 $0x108  }
0x21: {  	s3 =	sadd.s32 s3, s9;
	s6 =	sadd.s32 @!p0 $0x88, s6;
	s7 =	simm.s32 @p2 $0x1082  }
0x22: {  	[simem:s7], [sflag:s8] =	dma.local @!p0 [hbm:s6], $0xF7A  }
0x23: {  	s9 =	sor.u32 $0xD0000000, s2;
	s6 =	simm.s32 $0x108;
	_ =	swait.ge @!p0 [sflag:s8], $0x0  }
0x24: {  	s3 =	sadd.s32 $0x88, s3;
	s6 =	simm.s32 @!p1 $0x1082;
	[sflag:s4] =	ssyncset.s32 $0xFFFFF086  }
0x25: {  	[simem:s6], [sflag:s4] =	dma.local [hbm:s3], $0xF7A  }
0x26: {  	[smem:$0x3F9E] =	sst s1;
	(tag) =	ssettag s2;
	_ =	strace s9  }
0x27: {  	s1 =	sld [smem:$0x3FAE]  }
0x28: {  	s2 =	sld [smem:$0x3FAF]  }
0x29: {  	s4 =	sld [smem:$0x3FB1]  }
0x2a: {  	p0 =	seq.s32 s5, $0x0;
	s5 =	sld [smem:$0x3FB2]  }
0x2b: {  	s6 =	sld [smem:$0x3FB3]  }
0x2c: {  	s7 =	sld [smem:$0x3FB4]  }
0x2d: {  	s3 =	simm.s32 $0x108;
	s8 =	sld [smem:$0x3FB5]  }
0x2e: {  	s3 =	simm.s32 @!p0 $0x1082;
	s9 =	sld [smem:$0x3FB6]  }
0x2f: {  	lr =	sadd.s32 s0, s3;
	s0 =	sld [smem:$0x3FAD]  }
0x30: {  	s3 =	sld [smem:$0x3FB0]  }
0x31: {  	[smem:$0x3FB9] =	sst s10  }
0x32: {  	s10 =	sld [smem:$0x3FB7];
	_ =	sdelay $0x3  }
0x33: {  	p0 =	seq.s32 s10, $0x1;
	s10 =	sld [smem:$0x3FB9];
	_ =	sdelay $0x3  }
0x34: {  	[smem:$0x3FB9] =	sst s10  }
0x35: {  	s10 =	sld [smem:$0x3FB8];
	_ =	sdelay $0x3  }
0x36: {  	p1 =	seq.s32 s10, $0x1;
	s10 =	sld [smem:$0x3FB9];
	_ =	sdelay $0x3  }
0x37: {  	[smem:$0x3FB9] =	sst s10  }
0x38: {  	s10 =	sld [smem:$0x3FBA]  }
0x39: {  	_ = 	snop;
	(pc) =	sbr.ind lr, $3  }
0x3a: {  	_ = 	snop  }
0x3b: {  	_ = 	snop  }
0x3c: {  	p2 =	seq.s32 s10, $0x1;
	s10 =	sld [smem:$0x3FB9]  }
0x3d: {  	_ =	shalt  }
0x3e: {  	_ =	shalt  }
0x3f: {  	_ =	shalt  }
0x40: {  	_ =	shalt  }
0x41: {  	_ =	shalt  }
0x42: {  	_ =	shalt  }
0x43: {  	_ =	shalt  }
0x44: {  	_ =	shalt  }
0x45: {  	_ =	shalt  }
0x46: {  	_ =	shalt  }
0x47: {  	_ =	shalt  }
0x48: {  	_ =	shalt  }
0x49: {  	_ =	shalt  }
0x4a: {  	_ =	shalt  }
0x4b: {  	_ =	shalt  }
0x4c: {  	_ =	shalt  }
0x4d: {  	_ =	shalt  }
0x4e: {  	_ =	shalt  }
0x4f: {  	_ =	shalt  }
0x50: {  	_ =	shalt  }
0x51: {  	_ =	shalt  }
0x52: {  	_ =	shalt  }
0x53: {  	_ =	shalt  }
0x54: {  	_ =	shalt  }
0x55: {  	_ =	shalt  }
0x56: {  	_ =	shalt  }
0x57: {  	_ =	shalt  }
0x58: {  	_ =	shalt  }
0x59: {  	_ =	shalt  }
0x5a: {  	_ =	shalt  }
0x5b: {  	_ =	shalt  }
0x5c: {  	_ =	shalt  }
0x5d: {  	_ =	shalt  }
0x5e: {  	_ =	shalt  }
0x5f: {  	_ =	shalt  }
0x60: {  	_ =	shalt  }
0x61: {  	_ =	shalt  }
0x62: {  	_ =	shalt  }
0x63: {  	_ =	shalt  }
0x64: {  	_ =	shalt  }
0x65: {  	_ =	shalt  }
0x66: {  	_ =	shalt  }
0x67: {  	_ =	shalt  }
0x68: {  	_ =	shalt  }
0x69: {  	_ =	shalt  }
0x6a: {  	_ =	shalt  }
0x6b: {  	_ =	shalt  }
0x6c: {  	_ =	shalt  }
0x6d: {  	_ =	shalt  }
0x6e: {  	_ =	shalt  }
0x6f: {  	_ =	shalt  }
0x70: {  	_ =	shalt  }
0x71: {  	_ =	shalt  }
0x72: {  	_ =	shalt  }
0x73: {  	_ =	shalt  }
0x74: {  	_ =	shalt  }
0x75: {  	_ =	shalt  }
0x76: {  	_ =	shalt  }
0x77: {  	_ =	shalt  }
0x78: {  	_ =	shalt  }
0x79: {  	_ =	shalt  }
0x7a: {  	_ =	shalt  }
0x7b: {  	_ =	shalt  }
0x7c: {  	_ =	shalt  }
0x7d: {  	_ =	shalt  }
0x7e: {  	_ =	shalt  }
0x7f: {  	_ =	shalt  }
0x80: {  	_ =	shalt  }
0x81: {  	_ =	shalt  }
0x82: {  	_ =	shalt  }
0x83: {  	_ =	shalt  }
0x84: {  	_ =	shalt  }
0x85: {  	_ =	shalt  }
0x86: {  	_ =	shalt  }
0x87: {  	_ =	shalt  }
.Lfunc_end0:
.L_simem_size_0:
called_computation_lowered:
.L_overlay_start_0:
0x88: {  	s2 =	sld [smem:$0x3FD9]  }
0x89: {  	s3 =	sld [smem:$0x3FFE];
	_ =	sdelay $0x1  }
0x8a: {  	s1 =	srdreg.scid  }
0x8b: {  	s0 =	sand.u32 $0x1, s1  }
0x8c: {  	s17 =	sshll.u32 s0, $0xA;
	s2 =	sadd.s32 s3, s2  }
0x8d: {  	s2 =	sadd.s32 s2, s17  }
0x8e: {  	[smem:$0x3FC5] =	sst s2  }
0x8f: {  	_ = 	snop  }
0x90: {  	s2 =	sld [smem:$0x3FC9]  }
0x91: {  	s18 =	sld [smem:$0x3FD0];
	(tm) =	ssettm $0x1  }
0x92: {  	s4 =	sld [smem:$0x3FFB];
	_ =	sdelay $0x3  }
0x93: {  	_ =	strace s4  }
0x94: {  	s4 =	sld [smem:$0x3FFC];
	_ =	sdelay $0x3  }
0x95: {  	_ =	strace s4  }
0x96: {  	s4 =	sld [smem:$0x3FFD];
	_ =	sdelay $0x3  }
0x97: {  	_ =	strace s4  }
0x98: {  	_ =	strace $0x8FFFFFFF  }
0x99: {  	s19 =	sld [smem:$0x3FDB];
	_ =	sdelay $0x1  }
0x9a: {  	s5 =	simm.s32 $_scs_section_size  }
0x9b: {  	s6 =	simm.s32 $_size__tile_overlayer_lowered;
	s7 =	simm.s32 $_tile_overlayer_lowered  }
0x9c: {  	s22 =	simm.s32 $0x1BFF;
	s21 =	sshll.u32 s7, $0x1;
	s4 =	sadd.s32 s5, s19  }
0x9d: {  	s8 =	simm.s32 $0x0;
	s20 =	sshll.u32 s6, $0x1;
	s6 =	sadd.s32 s21, s4  }
0x9e: {  	[timem:s8], [sflag:s22] =	dma.local [hbm:s6], s20  }
0x9f: {  	_ =	swait.ge [sflag:s22], s20  }
0xa0: {  	s5 =	ssub.s32 $0x0, s20;
	[sflag:s22] =	ssyncset.done $0x0  }
0xa1: {  	[sflag:s22] =	ssyncadd.s32 s5;
	_ =	sdelay $0x1  }
0xa2: {  	s23 =	simm.s32 $0x1B8B  }
0xa3: {  	_ =	swait.ge [sflag:s23], $0x1  }
0xa4: {  	[sflag:s23] =	ssyncset.done $0x0  }
0xa5: {  	s25 =	simm.s32 $0x1B8E;
	s24 =	sld [smem:$0x3FFE];
	[sflag:s23] =	ssyncadd.s32 $0xFFFFFFFF  }
0xa6: {  	s26 =	simm.s32 $execute0_lowered;
	[smem:$0x3FD2] =	sst s25  }
0xa7: {  	s6 =	sshll.u32 s26, $0x1;
	_ =	strace $0x80000046;
	[dreg:$0x1] =	wrdreg $0xFFFFFFFF  }
0xa8: {  	s28 =	simm.s32 $_size_execute0_lowered;
	s4 =	sadd.s32 s4, s6;
	[dreg:$0x0] =	wrdreg $0x0  }
0xa9: {  	s6 =	sshll.u32 s28, $0x1;
	[dreg:$0x2] =	wrdreg s4  }
0xaa: {  	[dreg:$0x3] =	wrdreg s6  }
0xab: {  	[dreg:$0x4] =	wrdreg $0xC0  }
0xac: {  	_ =	task [dreg:s8], $0x5FFFF  }
0xad: {  	[dreg:$0x1] =	wrdreg $0xFFFFFFFF  }
0xae: {  	[dreg:$0x0] =	wrdreg $0x60  }
0xaf: {  	[dreg:$0x2] =	wrdreg s2  }
0xb0: {  	[dreg:$0x3] =	wrdreg s24  }
0xb1: {  	[dreg:$0x4] =	wrdreg s18  }
0xb2: {  	[dreg:$0x5] =	wrdreg $0x6C000  }
0xb3: {  	[dreg:$0x6] =	wrdreg $0x1AC000  }
0xb4: {  	[dreg:$0x7] =	wrdreg $0x9  }
0xb5: {  	_ =	task.clear_ibuf [dreg:s8], $0x8FFFF;
	_ =	strace $0x90000046  }
0xb6: {  	s29 =	simm.s32 $0x9;
	_ =	strace $0x80000048  }
0xb7: {  	_ =	swait.ge [sflag:s29], $0x1  }
0xb8: {  	[sflag:s29] =	ssyncadd.s32 $0xFFFFFFFF  }
0xb9: {  	_ =	strace $0x90000048  }
0xba: {  	_ =	sfence  }
0xbb: {  	s30 =	sld [smem:$0x0];
	_ =	sdelay $0x2  }
0xbc: {  	s31 =	sshll.u32 s1, $0xD;
	s1 =	sshrl.u32 s1, $0x2  }
0xbd: {  	s3 =	sand.u32 $0x4000, s31;
	s1 =	sadd.s32 s1, s30  }
0xbe: {  	s0 =	sor.u32 s3, s0;
	s1 =	sshll.u32 s1, $0x11  }
0xbf: {  	s0 =	sor.u32 s1, s0  }
0xc0: {  	s0 =	sadd.s32 $0x8F2B, s0  }
0xc1: {  	[sflag:s0] =	ssyncadd.remote.s32 $0x1  }
0xc2: {  	_ =	sfence.sel $0xFFFF  }
0xc3: {  	[dreg:$0x0] =	wrdreg $0xFFFFFFFF;
	(pc) =	sbr.abs _section_cstart, $3  }
0xc4: {  	[dreg:$0x1] =	wrdreg $0xFFFFFFFF  }
0xc5: {  	_ =	task.clear_ibuf [dreg:s8], $0x2FFFF;
	_ =	strace $0x9FFFFFFF  }
0xc6: {  	(tm) =	ssettm $0x7FFFFFFF  }
0xc7: {  	_ =	shalt  }
tec
execute0_lowered:
.L_overlay_start_1:
0x0: {  	(tag) =	ssettag $0x1  }
0x1: {  	s0 =	rddreg [dreg:$0x0]  }
0x2: {  	s2 =	rddreg [dreg:$0x1]  }
0x3: {  	s1 =	srdreg.scid;
	s13 =	stileid.u32  }
0x4: {  	s19 =	rddreg [dreg:$0x2];
	s7 =	smul.u32 $0x2710, s13  }
0x5: {  	s3 =	rddreg [dreg:$0x3];
	s15 =	smul.u32 $0x500, s13  }
0x6: {  	s4 =	rddreg [dreg:$0x4];
	s5 =	simm.s32 $0x0;
	s11 =	smul.u32 $0x280, s13  }
0x7: {  	s28 =	simm.s32 $0x1;
	s29 =	simm.s32 $0x2900;
	s9 =	smul.u32 $0x50000, s13  }
0x8: {  	s30 =	simm.s32 $0x0;
	s8 =	sand.u32 $0x1, s1;
	s13 =	smul.u32 $0x14000, s13  }
0x9: {  	[smem:$0x7FF] =	sst s5;
	s16 =	sadd.s32 $0xB200, s2;
	s6 =	smul.u32 $0x27100, s8  }
0xa: {  	_ =	strace $0x80000047;
	s17 =	sshll.u32 s8, $0x7;
	s18 =	ssub.s32 $0x2, s8  }
0xb: {  	s14 =	smul.u32 $0x140000, s8;
	s22 =	sshrl.u32 s18, $0x1;
	s10 =	sshll.u32 s11, $0x7  }
0xc: {  	s23 =	sshrl.u32 s9, $0x2;
	s11 =	sadd.s32 s11, s4;
	s6 =	sadd.s32 s7, s6  }
0xd: {  	s18 =	ssub.s32 s18, s22;
	s12 =	sadd.s32 $0x4000, s10;
	s22 =	sadd.s32 $0x10000, s10  }
0xe: {  	s13 =	sadd.s32 s13, s14;
	s20 =	sshrl.u32 s6, $0x3;
	s6 =	sor.u32 s17, s15  }
0xf: {  	s7 =	sadd.s32 s12, s3;
	s15 =	sadd.s32 $0x8000, s10;
	s17 =	sadd.s32 $0xC000, s10  }
0x10: {  	s10 =	sadd.s32 s22, s3;
	s12 =	sadd.s32 s14, s12;
	s13 =	sshrl.u32 s13, $0x3  }
0x11: {  	s22 =	sadd.s32 s14, s22;
	s18 =	smax.u32 s18, $0x1;
	s21 =	sadd.s32 s20, s2  }
0x12: {  	s6 =	sshrl.u32 s6, $0x3;
	s8 =	sadd.s32 s15, s3;
	s9 =	sadd.s32 s17, s3  }
0x13: {  	s24 =	sadd.s32 s16, s13;
	s15 =	sadd.s32 s14, s15;
	s17 =	sadd.s32 s14, s17  }
0x14: {  	s31 =	sshrl.u32 s22, $0x3;
	s19 =	sadd.s32 s20, s19;
	s22 =	simm.s32 $0x2  }
0x15: {  	s2 =	sadd.s32 s6, s2;
	s6 =	sadd.s32 s23, s3;
	s23 =	sshrl.u32 s12, $0x3  }
0x16: {  	[dreg:$0x6] =	wrdreg s24;
	s15 =	sshrl.u32 s15, $0x3;
	s26 =	sshrl.u32 s17, $0x3  }
0x17: {  	s20 =	sadd.s32 $0xA00, s21;
	s21 =	simm.s32 $0x2980;
	s24 =	simm.s32 $0x80  }
0x18: {  	s25 =	sadd.s32 s16, s23;
	s14 =	sadd.s32 s16, s15;
	s15 =	sadd.s32 s16, s26  }
0x19: {  	s16 =	sadd.s32 s16, s31;
	s17 =	sadd.s32 $0xA800, s2;
	s23 =	simm.s32 $0x6980  }
0x1a: {  	v0 =	vimm.f32 $0.0e+00;
	v1 =	vimm.f32 $1.000000000e+00;
	s26 =	simm.s32 $0x100;
	[dreg:$0x7] =	wrdreg s25;
	s25 =	simm.s32 $0x50  }
.LBB2_1:
0x1b: {  	s31 =	simm.s32 $0x0;
	s2 =	simm.s32 $0x200  }
.LBB2_2:
0x1c: {  	p0 =	sne.s32 s2, $0xFE00;
	[tilespmem:s31+$0x29F0] =	vst v0  }
0x1d: {  	[tilespmem:s31+$0x2980] =	vst v0  }
0x1e: {  	[tilespmem:s31+$0x2990] =	vst v0  }
.Ltmp0:
0x1f: {  	[tilespmem:s31+$0x29A0] =	vst v0;
	(pc) =	sbr.rel @p0 .LBB2_2-.Ltmp0, $4  }
0x20: {  	[tilespmem:s31+$0x29B0] =	vst v0  }
0x21: {  	[tilespmem:s31+$0x29C0] =	vst v0  }
0x22: {  	[tilespmem:s31+$0x29D0] =	vst v0  }
0x23: {  	[tilespmem:s31+$0x29E0] =	vst v0;
	s31 =	sshra.s32 s2, $0x2;
	s2 =	sadd.s32 $0x200, s2  }
0x24: {  	[tilespmem:s31+$0x29F0] =	vst v0  }
0x25: {  	[tilespmem:s31+$0x2980] =	vst v0  }
0x26: {  	[tilespmem:s31+$0x2990] =	vst v0  }
0x27: {  	[tilespmem:s31+$0x29A0] =	vst v0  }
0x28: {  	[tilespmem:s31+$0x29B0] =	vst v0  }
0x29: {  	[tilespmem:s31+$0x29C0] =	vst v0  }
0x2a: {  	[tilespmem:s31+$0x29D0] =	vst v0  }
0x2b: {  	[tilespmem:s31+$0x29E0] =	vst v0  }
0x2c: {  	[tilespmem:$0x6980] =	vst v0  }
0x2d: {  	[tilespmem:$0x6990] =	vst v0  }
0x2e: {  	[tilespmem:$0x69A0] =	vst v0  }
0x2f: {  	[tilespmem:$0x69B0] =	vst v0  }
0x30: {  	[tilespmem:$0x69C0] =	vst v0  }
0x31: {  	[tilespmem:$0x69D0] =	vst v0  }
0x32: {  	[tilespmem:$0x69E0] =	vst v0  }
0x33: {  	[tilespmem:$0x69F0] =	vst v0  }
0x34: {  	[tilespmem:$0x6A00] =	vst v0  }
0x35: {  	[tilespmem:$0x6A10] =	vst v0  }
0x36: {  	[tilespmem:$0x6A20] =	vst v0  }
0x37: {  	[tilespmem:$0x6A30] =	vst v0  }
0x38: {  	[tilespmem:$0x6A40] =	vst v0  }
0x39: {  	[tilespmem:$0x6A50] =	vst v0  }
0x3a: {  	[tilespmem:$0x6A60] =	vst v0  }
0x3b: {  	[tilespmem:$0x6A70] =	vst v0  }
0x3c: {  	[tilespmem:$0x6A80] =	vst v0  }
0x3d: {  	[tilespmem:$0x6A90] =	vst v0  }
0x3e: {  	[tilespmem:$0x6AA0] =	vst v0  }
0x3f: {  	[tilespmem:$0x6AB0] =	vst v0  }
0x40: {  	[tilespmem:$0x6AC0] =	vst v0  }
0x41: {  	[tilespmem:$0x6AD0] =	vst v0  }
0x42: {  	[tilespmem:$0x6AE0] =	vst v0  }
0x43: {  	[tilespmem:$0x6AF0] =	vst v0  }
0x44: {  	[tilespmem:$0x6B00] =	vst v0  }
0x45: {  	[tilespmem:$0x6B10] =	vst v0  }
0x46: {  	[tilespmem:$0x6B20] =	vst v0  }
0x47: {  	[tilespmem:$0x6B30] =	vst v0  }
0x48: {  	[tilespmem:$0x6B40] =	vst v0  }
0x49: {  	[tilespmem:$0x6B50] =	vst v0  }
0x4a: {  	[tilespmem:$0x6B60] =	vst v0  }
0x4b: {  	[tilespmem:$0x6B70] =	vst v0  }
0x4c: {  	[tilespmem:$0x6B80] =	vst v0  }
0x4d: {  	[tilespmem:$0x6B90] =	vst v0  }
0x4e: {  	[tilespmem:$0x6BA0] =	vst v0  }
0x4f: {  	[tilespmem:$0x6BB0] =	vst v0  }
0x50: {  	[tilespmem:$0x6BC0] =	vst v0  }
0x51: {  	[tilespmem:$0x6BD0] =	vst v0  }
0x52: {  	[tilespmem:$0x6BE0] =	vst v0  }
0x53: {  	[tilespmem:$0x6BF0] =	vst v0  }
0x54: {  	[tilespmem:$0x2900] =	vst v1  }
0x55: {  	[tilespmem:$0x2910] =	vst v1  }
0x56: {  	[tilespmem:$0x2920] =	vst v1  }
0x57: {  	[tilespmem:$0x2930] =	vst v1  }
0x58: {  	[tilespmem:$0x2940] =	vst v1  }
0x59: {  	[spmem:s6] =	stream.linear.scatter [tilespmem:s21], [sflag:$0x2], $0x4000, $0x38;
	[tilespmem:$0x1AE80] =	vst v63  }
0x5a: {  	_ =	swait.ge [sflag:s22], $0x4000  }
0x5b: {  	[sflag:s22] =	ssyncset.done $0x0  }
0x5c: {  	[sflag:s22] =	ssyncadd.s32 $0xFFFFC000  }
0x5d: {  	[spmem:s7] =	stream.linear.scatter [tilespmem:s21], [sflag:$0x2], $0x4000, $0x38;
	[tilespmem:$0x1AE80] =	vst v63  }
0x5e: {  	_ =	swait.ge [sflag:s22], $0x4000  }
0x5f: {  	[sflag:s22] =	ssyncset.done $0x0  }
0x60: {  	[sflag:s22] =	ssyncadd.s32 $0xFFFFC000  }
0x61: {  	[spmem:s8] =	stream.linear.scatter [tilespmem:s21], [sflag:$0x2], $0x4000, $0x38;
	[tilespmem:$0x1AE80] =	vst v63  }
0x62: {  	_ =	swait.ge [sflag:s22], $0x4000  }
0x63: {  	[sflag:s22] =	ssyncset.done $0x0  }
0x64: {  	[sflag:s22] =	ssyncadd.s32 $0xFFFFC000  }
0x65: {  	[spmem:s9] =	stream.linear.scatter [tilespmem:s21], [sflag:$0x2], $0x4000, $0x38;
	[tilespmem:$0x1AE80] =	vst v63  }
0x66: {  	_ =	swait.ge [sflag:s22], $0x4000  }
0x67: {  	[sflag:s22] =	ssyncset.done $0x0  }
0x68: {  	[sflag:s22] =	ssyncadd.s32 $0xFFFFC000  }
0x69: {  	[spmem:s10] =	stream.linear.scatter [tilespmem:s21], [sflag:$0x2], $0x4000, $0x38;
	[tilespmem:$0x1AE80] =	vst v63  }
0x6a: {  	_ =	swait.ge [sflag:s22], $0x4000  }
0x6b: {  	[sflag:s22] =	ssyncset.done $0x0  }
0x6c: {  	[sflag:s22] =	ssyncadd.s32 $0xFFFFC000  }
0x6d: {  	[spmem:s11] =	stream.linear.scatter [tilespmem:s23], [sflag:$0x2], $0x280, $0x38;
	[tilespmem:$0x1AE80] =	vst v63  }
0x6e: {  	_ =	swait.ge [sflag:s22], $0x280  }
0x6f: {  	[sflag:s22] =	ssyncset.done $0x0  }
0x70: {  	[sflag:s22] =	ssyncadd.s32 $0xFFFFFD80  }
0x71: {  	s2 =	sadd.s32 $0x0, s20;
	[bflag:$0x0] =	sbarrier.arrive $0xFFFF  }
0x72: {  	[tilespmem:s5], [sflag:$0x2] =	stream.linear.gather [hbm4b:s2+s5], $0x50, $0x38;
	[tilespmem:$0x1AE80] =	vst v63  }
0x73: {  	_ =	swait.ge [sflag:s22], $0x50  }
0x74: {  	[sflag:s22] =	ssyncset.done $0x0  }
0x75: {  	s13 =	sadd.s32 $0x0, s19;
	[sflag:s22] =	ssyncadd.s32 $0xFFFFFFB0  }
0x76: {  	[tilespmem:s24], [sflag:$0x2] =	stream.linear.gather [hbm4b:s13+s5], $0x50, $0x38;
	[tilespmem:$0x1AE80] =	vst v63  }
0x77: {  	_ =	swait.ge [sflag:s22], $0x50  }
0x78: {  	[sflag:s22] =	ssyncset.done $0x0  }
0x79: {  	[sflag:s22] =	ssyncadd.s32 $0xFFFFFFB0  }
0x7a: {  	[tilespmem:s26], [sflag:$0x1] =	stream.indirect.gather [hbm4b:s0+s25], $0x80, s5, s25, $0xb8;
	[tilespmem:$0x1AE80] =	vst v63  }
0x7b: {  	_ =	swait.ge [sflag:s28], $0x2800  }
0x7c: {  	[sflag:s28] =	ssyncset.done $0x0  }
0x7d: {  	[sflag:s28] =	ssyncadd.s32 $0xFFFFD800  }
0x7e: {  	[spmem:s3] =	stream.indirect.scatter.add.f32 [tilespmem:s26], [sflag:$0x2], $0x80, s24, s25, $0xb8;
	[tilespmem:$0x1AE80] =	vst v63  }
0x7f: {  	_ =	swait.ge [sflag:s22], $0x2800  }
0x80: {  	[sflag:s22] =	ssyncset.done $0x0  }
0x81: {  	[sflag:s22] =	ssyncadd.s32 $0xFFFFD800  }
0x82: {  	[spmem:s4] =	stream.indirect.scatter.add.f32 [tilespmem:s29], [sflag:$0x2], $0x1, s24, s25, $0xb8;
	[tilespmem:$0x1AE80] =	vst v63  }
0x83: {  	_ =	swait.ge [sflag:s22], $0x50  }
0x84: {  	s31 =	simm.s32 $0xA;
	s2 =	simm.s32 $0x14;
	[sflag:s22] =	ssyncset.done $0x0  }
.LBB2_4:
0x85: {  	s1 =	sadd.s32 s31, s20  }
0x86: {  	[sflag:s22] =	ssyncadd.s32 $0xFFFFFFB0;
	s12 =	smov.u32 s2;
	s13 =	sadd.s32 $0xA, s2  }
0x87: {  	[tilespmem:s5], [sflag:$0x2] =	stream.linear.gather [hbm4b:s1+s5], $0x50, $0x38;
	[tilespmem:$0x1AE80] =	vst v63  }
0x88: {  	p0 =	sne.s32 s2, $0x4D8;
	_ =	swait.ge [sflag:s22], $0x50  }
0x89: {  	[sflag:s22] =	ssyncset.done $0x0  }
0x8a: {  	s1 =	sadd.s32 s31, s19;
	s31 =	smov.u32 s12;
	[sflag:s22] =	ssyncadd.s32 $0xFFFFFFB0  }
0x8b: {  	[tilespmem:s24], [sflag:$0x2] =	stream.linear.gather [hbm4b:s1+s5], $0x50, $0x38;
	[tilespmem:$0x1AE80] =	vst v63  }
0x8c: {  	_ =	swait.ge [sflag:s22], $0x50  }
0x8d: {  	[sflag:s22] =	ssyncset.done $0x0  }
0x8e: {  	[sflag:s22] =	ssyncadd.s32 $0xFFFFFFB0  }
0x8f: {  	[tilespmem:s26], [sflag:$0x1] =	stream.indirect.gather [hbm4b:s0+s25], $0x80, s5, s25, $0xb8;
	[tilespmem:$0x1AE80] =	vst v63  }
0x90: {  	_ =	swait.ge [sflag:s28], $0x2800  }
0x91: {  	[sflag:s28] =	ssyncset.done $0x0  }
0x92: {  	[sflag:s28] =	ssyncadd.s32 $0xFFFFD800  }
0x93: {  	[spmem:s3] =	stream.indirect.scatter.add.f32 [tilespmem:s26], [sflag:$0x2], $0x80, s24, s25, $0xb8;
	[tilespmem:$0x1AE80] =	vst v63  }
0x94: {  	_ =	swait.ge [sflag:s22], $0x2800  }
.Ltmp1:
0x95: {  	[sflag:s22] =	ssyncset.done $0x0;
	(pc) =	sbr.rel @p0 .LBB2_4-.Ltmp1, $4  }
0x96: {  	[sflag:s22] =	ssyncadd.s32 $0xFFFFD800  }
0x97: {  	[spmem:s4] =	stream.indirect.scatter.add.f32 [tilespmem:s29], [sflag:$0x2], $0x1, s24, s25, $0xb8;
	[tilespmem:$0x1AE80] =	vst v63  }
0x98: {  	_ =	swait.ge [sflag:s22], $0x50  }
0x99: {  	s2 =	smov.u32 s13;
	[sflag:s22] =	ssyncset.done $0x0  }
0x9a: {  	s1 =	sadd.s32 s31, s20;
	[sflag:s22] =	ssyncadd.s32 $0xFFFFFFB0  }
0x9b: {  	[tilespmem:s5], [sflag:$0x2] =	stream.linear.gather [hbm4b:s1+s5], $0x50, $0x38;
	[tilespmem:$0x1AE80] =	vst v63  }
0x9c: {  	_ =	swait.ge [sflag:s22], $0x50  }
0x9d: {  	[sflag:s22] =	ssyncset.done $0x0  }
0x9e: {  	s12 =	sadd.s32 s31, s19;
	[sflag:s22] =	ssyncadd.s32 $0xFFFFFFB0  }
0x9f: {  	[tilespmem:s24], [sflag:$0x2] =	stream.linear.gather [hbm4b:s12+s5], $0x50, $0x38;
	[tilespmem:$0x1AE80] =	vst v63  }
0xa0: {  	_ =	swait.ge [sflag:s22], $0x50  }
0xa1: {  	[sflag:s22] =	ssyncset.done $0x0  }
0xa2: {  	[sflag:s22] =	ssyncadd.s32 $0xFFFFFFB0  }
0xa3: {  	[tilespmem:s26], [sflag:$0x1] =	stream.indirect.gather [hbm4b:s0+s25], $0x80, s5, s25, $0xb8;
	[tilespmem:$0x1AE80] =	vst v63  }
0xa4: {  	_ =	swait.ge [sflag:s28], $0x2800  }
0xa5: {  	[sflag:s28] =	ssyncset.done $0x0  }
0xa6: {  	[sflag:s28] =	ssyncadd.s32 $0xFFFFD800  }
0xa7: {  	[spmem:s3] =	stream.indirect.scatter.add.f32 [tilespmem:s26], [sflag:$0x2], $0x80, s24, s25, $0xb8;
	[tilespmem:$0x1AE80] =	vst v63  }
0xa8: {  	_ =	swait.ge [sflag:s22], $0x2800  }
0xa9: {  	[sflag:s22] =	ssyncset.done $0x0  }
0xaa: {  	[sflag:s22] =	ssyncadd.s32 $0xFFFFD800  }
0xab: {  	[spmem:s4] =	stream.indirect.scatter.add.f32 [tilespmem:s29], [sflag:$0x2], $0x1, s24, s25, $0xb8;
	[tilespmem:$0x1AE80] =	vst v63  }
0xac: {  	_ =	swait.ge [sflag:s22], $0x50  }
0xad: {  	[sflag:s22] =	ssyncset.done $0x0  }
0xae: {  	[sflag:s22] =	ssyncadd.s32 $0xFFFFFFB0  }
0xaf: {  	[bflag:$0x0] =	sbarrier.arrive $0xFFFF  }
0xb0: {  	[tilespmem:s21], [sflag:$0x2] =	stream.linear.gather [spmem:s6], $0x4000, $0x38;
	[tilespmem:$0x1AE80] =	vst v63  }
0xb1: {  	_ =	swait.ge [sflag:s22], $0x4000  }
0xb2: {  	[sflag:s22] =	ssyncset.done $0x0  }
0xb3: {  	s13 =	rddreg [dreg:$0x6];
	[sflag:s22] =	ssyncadd.s32 $0xFFFFC000  }
0xb4: {  	[hbm4b:s13+s5] =	stream.linear.scatter [tilespmem:s21], [sflag:$0x2], $0x4000, $0x38;
	[tilespmem:$0x1AE80] =	vst v63  }
0xb5: {  	_ =	swait.ge [sflag:s22], $0x4000  }
0xb6: {  	[sflag:s22] =	ssyncset.done $0x0  }
0xb7: {  	[sflag:s22] =	ssyncadd.s32 $0xFFFFC000  }
0xb8: {  	[tilespmem:s21], [sflag:$0x2] =	stream.linear.gather [spmem:s7], $0x4000, $0x38;
	[tilespmem:$0x1AE80] =	vst v63  }
0xb9: {  	_ =	swait.ge [sflag:s22], $0x4000  }
0xba: {  	[sflag:s22] =	ssyncset.done $0x0  }
0xbb: {  	s31 =	rddreg [dreg:$0x7];
	[sflag:s22] =	ssyncadd.s32 $0xFFFFC000  }
0xbc: {  	[hbm4b:s31+s5] =	stream.linear.scatter [tilespmem:s21], [sflag:$0x2], $0x4000, $0x38;
	[tilespmem:$0x1AE80] =	vst v63  }
0xbd: {  	_ =	swait.ge [sflag:s22], $0x4000  }
0xbe: {  	[sflag:s22] =	ssyncset.done $0x0  }
0xbf: {  	[sflag:s22] =	ssyncadd.s32 $0xFFFFC000  }
0xc0: {  	[tilespmem:s21], [sflag:$0x2] =	stream.linear.gather [spmem:s8], $0x4000, $0x38;
	[tilespmem:$0x1AE80] =	vst v63  }
0xc1: {  	_ =	swait.ge [sflag:s22], $0x4000  }
0xc2: {  	[sflag:s22] =	ssyncset.done $0x0  }
0xc3: {  	[sflag:s22] =	ssyncadd.s32 $0xFFFFC000  }
0xc4: {  	[hbm4b:s14+s5] =	stream.linear.scatter [tilespmem:s21], [sflag:$0x2], $0x4000, $0x38;
	[tilespmem:$0x1AE80] =	vst v63  }
0xc5: {  	_ =	swait.ge [sflag:s22], $0x4000  }
0xc6: {  	[sflag:s22] =	ssyncset.done $0x0  }
0xc7: {  	[sflag:s22] =	ssyncadd.s32 $0xFFFFC000  }
0xc8: {  	[tilespmem:s21], [sflag:$0x2] =	stream.linear.gather [spmem:s9], $0x4000, $0x38;
	[tilespmem:$0x1AE80] =	vst v63  }
0xc9: {  	_ =	swait.ge [sflag:s22], $0x4000  }
0xca: {  	[sflag:s22] =	ssyncset.done $0x0  }
0xcb: {  	[sflag:s22] =	ssyncadd.s32 $0xFFFFC000  }
0xcc: {  	[hbm4b:s15+s5] =	stream.linear.scatter [tilespmem:s21], [sflag:$0x2], $0x4000, $0x38;
	[tilespmem:$0x1AE80] =	vst v63  }
0xcd: {  	_ =	swait.ge [sflag:s22], $0x4000  }
0xce: {  	[sflag:s22] =	ssyncset.done $0x0  }
0xcf: {  	[sflag:s22] =	ssyncadd.s32 $0xFFFFC000  }
0xd0: {  	[tilespmem:s21], [sflag:$0x2] =	stream.linear.gather [spmem:s10], $0x4000, $0x38;
	[tilespmem:$0x1AE80] =	vst v63  }
0xd1: {  	_ =	swait.ge [sflag:s22], $0x4000  }
0xd2: {  	[sflag:s22] =	ssyncset.done $0x0  }
0xd3: {  	[sflag:s22] =	ssyncadd.s32 $0xFFFFC000  }
0xd4: {  	[hbm4b:s16+s5] =	stream.linear.scatter [tilespmem:s21], [sflag:$0x2], $0x4000, $0x38;
	[tilespmem:$0x1AE80] =	vst v63  }
0xd5: {  	_ =	swait.ge [sflag:s22], $0x4000  }
0xd6: {  	[sflag:s22] =	ssyncset.done $0x0  }
0xd7: {  	[sflag:s22] =	ssyncadd.s32 $0xFFFFC000  }
0xd8: {  	[tilespmem:s23], [sflag:$0x2] =	stream.linear.gather [spmem:s11], $0x280, $0x38;
	[tilespmem:$0x1AE80] =	vst v63  }
0xd9: {  	s30 =	sadd.s32 $0x1, s30;
	_ =	swait.ge [sflag:s22], $0x280  }
0xda: {  	p0 =	sne.s32 s30, s18;
	[sflag:s22] =	ssyncset.done $0x0  }
.Ltmp2:
0xdb: {  	[sflag:s22] =	ssyncadd.s32 $0xFFFFFD80;
	(pc) =	sbr.rel @p0 .LBB2_1-.Ltmp2, $4  }
0xdc: {  	[hbm4b:s17+s24] =	stream.strided.scatter [tilespmem:s23], [sflag:$0x2], $0x280, s26, s24, $0x38;
	[tilespmem:$0x1AE80] =	vst v63  }
0xdd: {  	_ =	swait.ge [sflag:s22], $0x280  }
0xde: {  	[sflag:s22] =	ssyncset.done $0x0  }
0xdf: {  	[sflag:s22] =	ssyncadd.s32 $0xFFFFFD80  }
0xe0: {  	_ =	sfence.sel $0x180000  }
0xe1: {  	[bflag:$0x0] =	sbarrier.arrive $0xFFFF  }
0xe2: {  	_ =	strace $0x90000047  }
0xe3: {  	s0 =	stileid.u32;
	[bflag:$0x2] =	sbarrier.arrive $0xFFFF  }
0xe4: {  	p0 =	sne.s32 s0, $0x0;
	s0 =	rddreg [dreg:$0x5]  }
0xe5: {  	s0 =	sadd.s32 @!p0 $0x100000, s0  }
0xe6: {  	[sflag:s0] =	ssyncadd.tile.s32 @!p0 $0x1;
	_ =	shalt  }
.Lfunc_end2:
_tile_overlayer_lowered:
.L_overlay_start_2:
0xe7: {  	(tag) =	ssettag $0x2  }
0xe8: {  	s0 =	rddreg [dreg:$0x0];
	s2 =	stileid.u32  }
0xe9: {  	s1 =	rddreg [dreg:$0x1];
	p0 =	sne.s32 s2, $0x0  }
0xea: {  	s3 =	rddreg [dreg:$0x2];
	[bflag:$0x3] =	sbarrier.arrive $0xFFFF;
	s2 =	simm.s32 @!p0 $0x1C02  }
0xeb: {  	[timem:s3], [sflag:s2] =	dma.local @!p0 [hbm:s0], s1  }
0xec: {  	s0 =	simm.s32 @!p0 $0x2  }
0xed: {  	_ =	swait.ge @!p0 [sflag:s0], s1  }
0xee: {  	s1 =	ssub.s32 @!p0 $0x0, s1;
	[sflag:s0] =	ssyncset.done @!p0 $0x0  }
0xef: {  	[sflag:s0] =	ssyncadd.s32 @!p0 s1  }
0xf0: {  	[bflag:$0x3] =	sbarrier.arrive $0xFFFF  }
0xf1: {  	_ =	shalt  }

</sc_bundles>
